<compile_context>
chip_gen: v7x
topology: tpu7x:2x2x1
jax: 0.10.2.dev20260603
libtpu: 0.0.44.dev20260713+nightly
codegen_flags: <defaults>
</compile_context>

<pallas_src>
import functools

import jax
import jax.numpy as jnp
from jax import lax
from jax.experimental import pallas as pl
from jax.experimental.pallas import tpu as pltpu
from jax.experimental.pallas import tpu_sc as plsc

NUM_CARDS = 100000
NUM_ACTIONS = 8
BATCH = 16384

L = 16
NC, NS = 2, 16
NW = NC * NS
BPW = BATCH // NW
NG = BPW // L
NIDX = BPW * NUM_ACTIONS
CHUNK = 128
NCHUNK = NIDX // CHUNK

W0_PAD_ROWS = 100096
W0_TILES = W0_PAD_ROWS // 128
W1_TILES = NUM_CARDS * NUM_ACTIONS ** 2 // 128

_mesh = plsc.VectorSubcoreMesh(core_axis_name="c", subcore_axis_name="s")


@functools.partial(
    pl.kernel,
    mesh=_mesh,
    compiler_params=pltpu.CompilerParams(use_tc_tiling_on_sc=False),
    out_type=(
        jax.ShapeDtypeStruct((BATCH * NUM_ACTIONS,), jnp.float32),
        jax.ShapeDtypeStruct((BATCH * NUM_ACTIONS,), jnp.float32),
    ),
    scratch_types=[
        pltpu.VMEM((BPW,), jnp.int32),
        pltpu.VMEM((BPW,), jnp.int32),
        pltpu.VMEM((BPW,), jnp.int32),
        pltpu.VMEM((BPW,), jnp.int32),
        pltpu.VMEM((NIDX,), jnp.int32),
        pltpu.VMEM((NIDX,), jnp.int32),
        pltpu.VMEM((NIDX,), jnp.float32),
        pltpu.VMEM((NIDX,), jnp.float32),
        pltpu.SemaphoreType.DMA,
        pltpu.SemaphoreType.DMA,
        pltpu.SemaphoreType.DMA,
        pltpu.SemaphoreType.DMA,
        pltpu.SemaphoreType.DMA,
    ],
)
def _qnet_sc(c0_hbm, c1_hbm, u0_hbm, ug_hbm, w0_hbm, w1_hbm,
             q0_hbm, q1_hbm,
             c0_v, c1_v, u0_v, ug_v, gix0_v, gix1_v, out0_v, out1_v,
             sem_in, sem0, sem1, sem2, sem3):
    wid = lax.axis_index("s") * NC + lax.axis_index("c")
    base = wid * BPW

    cp_c0 = pltpu.async_copy(c0_hbm.at[pl.ds(base, BPW)], c0_v, sem0)
    in_copies = [
        pltpu.async_copy(c1_hbm.at[pl.ds(base, BPW)], c1_v, sem_in),
        pltpu.async_copy(u0_hbm.at[pl.ds(base, BPW)], u0_v, sem_in),
        pltpu.async_copy(ug_hbm.at[pl.ds(base, BPW)], ug_v, sem_in),
    ]
    cp_c0.wait()

    def build(gix_v, c_of_i, g0, g1):
        def body(i, carry):
            c = c_of_i(i)
            off = ((c >> 7) << 10) + (c & 127)
            pos = (i >> 3) * 1024 + (i & 7) * L
            for a in range(NUM_ACTIONS):
                gix_v[pl.ds(pos + a * 128, L)] = off + a * 128
            return carry
        lax.fori_loop(g0, g1, body, 0)

    def fire(w_hbm, gix_v, out_v, sem, k0, k1):
        return pltpu.async_copy(
            w_hbm.at[gix_v.at[pl.ds(k0 * 1024, (k1 - k0) * 1024)]],
            out_v.at[pl.ds(k0 * 1024, (k1 - k0) * 1024)],
            sem,
        )

    c0_of = lambda i: c0_v[pl.ds(i * L, L)]
    build(gix0_v, c0_of, 0, NG // 2)
    g0a = fire(w0_hbm, gix0_v, out0_v, sem0, 0, 2)
    build(gix0_v, c0_of, NG // 2, NG)
    g0b = fire(w0_hbm, gix0_v, out0_v, sem2, 2, 4)

    for cp in in_copies:
        cp.wait()

    def joint(i):
        sl = pl.ds(i * L, L)
        return (c1_v[sl] * (NUM_ACTIONS * NUM_ACTIONS)
                + u0_v[sl] * NUM_ACTIONS + ug_v[sl])
    build(gix1_v, joint, 0, NG // 2)
    g1a = fire(w1_hbm, gix1_v, out1_v, sem1, 0, 2)
    build(gix1_v, joint, NG // 2, NG)
    g1b = fire(w1_hbm, gix1_v, out1_v, sem3, 2, 4)

    HALF = NIDX // 2
    wbs = []
    for g, out_v_, q_hbm_, h in ((g0a, out0_v, q0_hbm, 0),
                                 (g0b, out0_v, q0_hbm, 1),
                                 (g1a, out1_v, q1_hbm, 0),
                                 (g1b, out1_v, q1_hbm, 1)):
        g.wait()
        wbs.append(pltpu.async_copy(
            out_v_.at[pl.ds(h * HALF, HALF)],
            q_hbm_.at[pl.ds(wid * NIDX + h * HALF, HALF)],
            sem_in,
        ))
    for wb in wbs:
        wb.wait()


def _flat_view(w, tiles):
    return (w.reshape(tiles, 128, NUM_ACTIONS)
            .transpose(0, 2, 1)
            .reshape(tiles * 1024))


def _untile_out(qf):
    return (qf.reshape(BATCH // 128, NUM_ACTIONS, 128)
            .transpose(0, 2, 1)
            .reshape(BATCH, NUM_ACTIONS))


def kernel(cards_0, cards_1, u0, u0_greedy, weights_0, weights_1):
    w0v = _flat_view(
        jnp.pad(weights_0, ((0, W0_PAD_ROWS - NUM_CARDS), (0, 0))), W0_TILES)
    w1v = _flat_view(weights_1, W1_TILES)
    q0f, q1f = _qnet_sc(
        cards_0.astype(jnp.int32),
        cards_1.astype(jnp.int32),
        u0.astype(jnp.int32),
        u0_greedy.astype(jnp.int32),
        w0v,
        w1v,
    )
    return (_untile_out(q0f), _untile_out(q1f))

# --- scband reference (transcript-rebuilt; emitter-appended) ---
"""Pipeline reference for scband-qnet-28037546508802 (READ-ONLY COPY).

The authoritative reference and input builder live on the scoring server;
editing this copy changes nothing except your own understanding.
"""

import jax, jax.numpy as jnp
import numpy as np

NUM_CARDS = 100000
NUM_ACTIONS = 8
BAD_MODE = 4
BATCH = 16384


def setup_inputs(seed: int = 0) -> dict:
    key = jax.random.key(seed)
    k1, k2, k3, k4, k5, k6 = jax.random.split(key, 6)
    cards_0 = jax.random.randint(k1, (BATCH,), 0, NUM_CARDS)
    cards_1 = jax.random.randint(k2, (BATCH,), 0, NUM_CARDS)
    u0 = jax.random.randint(k3, (BATCH,), 0, NUM_ACTIONS)
    u0_greedy = jax.random.randint(k4, (BATCH,), 0, NUM_ACTIONS)
    weights_0 = jax.random.normal(k5, (NUM_CARDS, NUM_ACTIONS), dtype=jnp.float32) * 0.02
    weights_1 = jax.random.normal(k6, (NUM_CARDS * NUM_ACTIONS ** 2, NUM_ACTIONS), dtype=jnp.float32) * 0.02
    return {
        "cards_0": cards_0,
        "cards_1": cards_1,
        "u0": u0,
        "u0_greedy": u0_greedy,
        "weights_0": weights_0,
        "weights_1": weights_1,
    }


def reference(cards_0, cards_1, u0, u0_greedy, weights_0, weights_1):
    # q0 = weights_0[cards_0]
    q0 = jnp.take(weights_0, cards_0, axis=0)
    greedy_factor = 1 if BAD_MODE > 3 else 0
    joint_input_1 = cards_1 * NUM_ACTIONS ** 2 + u0 * NUM_ACTIONS + u0_greedy * greedy_factor
    # q1 = weights_1[joint_input_1]
    q1 = jnp.take(weights_1, joint_input_1, axis=0)
    return (q0, q1)

if __name__ == "__main__":
    import jax
    _d = setup_inputs()
    print(jax.jit(kernel)(*tuple(_d.values())))

</pallas_src>

<mosaic_0001>
#map = affine_map<(d0, d1) -> (0)>
module attributes {stable_mosaic.version = 14 : i64} {
  func.func @_qnet_sc(%arg0: i32, %arg1: i32, %arg2: memref<16384xi32, #tpu.memory_space<hbm>>, %arg3: memref<16384xi32, #tpu.memory_space<hbm>>, %arg4: memref<16384xi32, #tpu.memory_space<hbm>>, %arg5: memref<16384xi32, #tpu.memory_space<hbm>>, %arg6: memref<800768xf32, #tpu.memory_space<hbm>>, %arg7: memref<51200000xf32, #tpu.memory_space<hbm>>, %arg8: memref<131072xf32, #tpu.memory_space<hbm>>, %arg9: memref<131072xf32, #tpu.memory_space<hbm>>, %arg10: memref<512xi32, #tpu.memory_space<vmem>>, %arg11: memref<512xi32, #tpu.memory_space<vmem>>, %arg12: memref<512xi32, #tpu.memory_space<vmem>>, %arg13: memref<512xi32, #tpu.memory_space<vmem>>, %arg14: memref<4096xi32, #tpu.memory_space<vmem>>, %arg15: memref<4096xi32, #tpu.memory_space<vmem>>, %arg16: memref<4096xf32, #tpu.memory_space<vmem>>, %arg17: memref<4096xf32, #tpu.memory_space<vmem>>, %arg18: memref<!tpu.dma_semaphore, #tpu.memory_space<semaphore_mem>>, %arg19: memref<!tpu.dma_semaphore, #tpu.memory_space<semaphore_mem>>, %arg20: memref<!tpu.dma_semaphore, #tpu.memory_space<semaphore_mem>>, %arg21: memref<!tpu.dma_semaphore, #tpu.memory_space<semaphore_mem>>, %arg22: memref<!tpu.dma_semaphore, #tpu.memory_space<semaphore_mem>>) attributes {dimension_semantics = [#tpu.dimension_semantics<core_parallel>, #tpu.dimension_semantics<subcore_parallel>], iteration_bounds = array<i64: 2, 16>, scalar_prefetch = 0 : i64, scratch_operands = 13 : i64, tpu.core_type = #tpu.core_type<sc_vector_subcore>, window_params = [{transform_indices = #map}, {transform_indices = #map}, {transform_indices = #map}, {transform_indices = #map}, {transform_indices = #map}, {transform_indices = #map}, {transform_indices = #map}, {transform_indices = #map}]} {
    %mul3A = arith.constant 2 : i32
    %mul3A_0 = arith.muli %arg1, %mul3A : i32
    %add3A = arith.addi %mul3A_0, %arg0 : i32
    %mul3A_1 = arith.constant 512 : i32
    %mul3A_2 = arith.muli %add3A, %mul3A_1 : i32
    %dma_start3A = tpu.memref_slice %arg2[%mul3A_2] : memref<16384xi32, #tpu.memory_space<hbm>> -> memref<512xi32, #tpu.memory_space<hbm>>
    %dma_start3A_3 = tpu.memref_slice %arg2[%mul3A_2] : memref<16384xi32, #tpu.memory_space<hbm>> -> memref<512xi32, #tpu.memory_space<hbm>>
    tpu.enqueue_dma source(%dma_start3A_3 : memref<512xi32, #tpu.memory_space<hbm>>) target(%arg10 : memref<512xi32, #tpu.memory_space<vmem>>) target_semaphore(%arg19 : memref<!tpu.dma_semaphore, #tpu.memory_space<semaphore_mem>>)
    %dma_start3A_4 = tpu.memref_slice %arg3[%mul3A_2] : memref<16384xi32, #tpu.memory_space<hbm>> -> memref<512xi32, #tpu.memory_space<hbm>>
    %dma_start3A_5 = tpu.memref_slice %arg3[%mul3A_2] : memref<16384xi32, #tpu.memory_space<hbm>> -> memref<512xi32, #tpu.memory_space<hbm>>
    tpu.enqueue_dma source(%dma_start3A_5 : memref<512xi32, #tpu.memory_space<hbm>>) target(%arg11 : memref<512xi32, #tpu.memory_space<vmem>>) target_semaphore(%arg18 : memref<!tpu.dma_semaphore, #tpu.memory_space<semaphore_mem>>)
    %dma_start3A_6 = tpu.memref_slice %arg4[%mul3A_2] : memref<16384xi32, #tpu.memory_space<hbm>> -> memref<512xi32, #tpu.memory_space<hbm>>
    %dma_start3A_7 = tpu.memref_slice %arg4[%mul3A_2] : memref<16384xi32, #tpu.memory_space<hbm>> -> memref<512xi32, #tpu.memory_space<hbm>>
    tpu.enqueue_dma source(%dma_start3A_7 : memref<512xi32, #tpu.memory_space<hbm>>) target(%arg12 : memref<512xi32, #tpu.memory_space<vmem>>) target_semaphore(%arg18 : memref<!tpu.dma_semaphore, #tpu.memory_space<semaphore_mem>>)
    %dma_start3A_8 = tpu.memref_slice %arg5[%mul3A_2] : memref<16384xi32, #tpu.memory_space<hbm>> -> memref<512xi32, #tpu.memory_space<hbm>>
    %dma_start3A_9 = tpu.memref_slice %arg5[%mul3A_2] : memref<16384xi32, #tpu.memory_space<hbm>> -> memref<512xi32, #tpu.memory_space<hbm>>
    tpu.enqueue_dma source(%dma_start3A_9 : memref<512xi32, #tpu.memory_space<hbm>>) target(%arg13 : memref<512xi32, #tpu.memory_space<vmem>>) target_semaphore(%arg18 : memref<!tpu.dma_semaphore, #tpu.memory_space<semaphore_mem>>)
    %dma_wait3A = tpu.memref_slice %arg2[%mul3A_2] : memref<16384xi32, #tpu.memory_space<hbm>> -> memref<512xi32, #tpu.memory_space<hbm>>
    %dma_wait3A_10 = tpu.memref_slice %arg2[%mul3A_2] : memref<16384xi32, #tpu.memory_space<hbm>> -> memref<512xi32, #tpu.memory_space<hbm>>
    tpu.wait_dma2 semaphore(%arg19 : memref<!tpu.dma_semaphore, #tpu.memory_space<semaphore_mem>>) src(%dma_wait3A_10 : memref<512xi32, #tpu.memory_space<hbm>>) dst(%arg10 : memref<512xi32, #tpu.memory_space<vmem>>)
    %scan3A = arith.constant 0 : i32
    %scan3A_11 = arith.constant 0 : i32
    %scan3A_12 = arith.constant 16 : i32
    %scan3A_13 = arith.addi %scan3A_11, %scan3A_12 : i32
    %scan3A_14 = arith.constant 1 : i32
    scf.for %scan3A_152 = %scan3A_11 to %scan3A_13 step %scan3A_14  : i32 {
      %mul3A_153 = arith.constant 16 : i32
      %mul3A_154 = arith.muli %scan3A_152, %mul3A_153 : i32
      %get3A = arith.index_cast %mul3A_154 : i32 to index
      %get3A_155 = tpu.vector_load %arg10[%get3A] {strides = array<i32>} : memref<512xi32, #tpu.memory_space<vmem>>, vector<16xi32>,
      %get3A_156 = vector.shape_cast %get3A_155 : vector<16xi32> to vector<16xi32>
      %shift_right_arithmetic3A = arith.constant 7 : i32
      %shift_right_arithmetic3A_157 = vector.broadcast %shift_right_arithmetic3A : i32 to vector<16xi32>
      %shift_right_arithmetic3A_158 = arith.shrsi %get3A_156, %shift_right_arithmetic3A_157 : vector<16xi32>
      %shift_left3A = arith.constant 10 : i32
      %shift_left3A_159 = vector.broadcast %shift_left3A : i32 to vector<16xi32>
      %shift_left3A_160 = arith.shli %shift_right_arithmetic3A_158, %shift_left3A_159 : vector<16xi32>
      %and3A = arith.constant 127 : i32
      %and3A_161 = vector.broadcast %and3A : i32 to vector<16xi32>
      %and3A_162 = arith.andi %get3A_156, %and3A_161 : vector<16xi32>
      %add3A_163 = arith.addi %shift_left3A_160, %and3A_162 : vector<16xi32>
      %shift_right_arithmetic3A_164 = arith.constant 3 : i32
      %shift_right_arithmetic3A_165 = arith.shrsi %scan3A_152, %shift_right_arithmetic3A_164 : i32
      %mul3A_166 = arith.constant 1024 : i32
      %mul3A_167 = arith.muli %shift_right_arithmetic3A_165, %mul3A_166 : i32
      %and3A_168 = arith.constant 7 : i32
      %and3A_169 = arith.andi %scan3A_152, %and3A_168 : i32
      %mul3A_170 = arith.constant 16 : i32
      %mul3A_171 = arith.muli %and3A_169, %mul3A_170 : i32
      %add3A_172 = arith.addi %mul3A_167, %mul3A_171 : i32
      %add3A_173 = arith.constant 0 : i32
      %add3A_174 = vector.broadcast %add3A_173 : i32 to vector<16xi32>
      %add3A_175 = arith.addi %add3A_163, %add3A_174 : vector<16xi32>
      %add3A_176 = arith.constant 0 : i32
      %add3A_177 = arith.addi %add3A_172, %add3A_176 : i32
      %swap3A = arith.index_cast %add3A_177 : i32 to index
      %swap3A_178 = tpu.vector_load %arg14[%swap3A] {strides = array<i32>} : memref<4096xi32, #tpu.memory_space<vmem>>, vector<16xi32>,
      %swap3A_179 = vector.shape_cast %swap3A_178 : vector<16xi32> to vector<16xi32>
      %swap3A_180 = vector.shape_cast %add3A_175 : vector<16xi32> to vector<16xi32>
      tpu.vector_store %arg14[%swap3A], %swap3A_180 {strides = array<i32>} : memref<4096xi32, #tpu.memory_space<vmem>>, vector<16xi32>,
      %add3A_181 = arith.constant 128 : i32
      %add3A_182 = vector.broadcast %add3A_181 : i32 to vector<16xi32>
      %add3A_183 = arith.addi %add3A_163, %add3A_182 : vector<16xi32>
      %add3A_184 = arith.constant 128 : i32
      %add3A_185 = arith.addi %add3A_172, %add3A_184 : i32
      %swap3A_186 = arith.index_cast %add3A_185 : i32 to index
      %swap3A_187 = tpu.vector_load %arg14[%swap3A_186] {strides = array<i32>} : memref<4096xi32, #tpu.memory_space<vmem>>, vector<16xi32>,
      %swap3A_188 = vector.shape_cast %swap3A_187 : vector<16xi32> to vector<16xi32>
      %swap3A_189 = vector.shape_cast %add3A_183 : vector<16xi32> to vector<16xi32>
      tpu.vector_store %arg14[%swap3A_186], %swap3A_189 {strides = array<i32>} : memref<4096xi32, #tpu.memory_space<vmem>>, vector<16xi32>,
      %add3A_190 = arith.constant 256 : i32
      %add3A_191 = vector.broadcast %add3A_190 : i32 to vector<16xi32>
      %add3A_192 = arith.addi %add3A_163, %add3A_191 : vector<16xi32>
      %add3A_193 = arith.constant 256 : i32
      %add3A_194 = arith.addi %add3A_172, %add3A_193 : i32
      %swap3A_195 = arith.index_cast %add3A_194 : i32 to index
      %swap3A_196 = tpu.vector_load %arg14[%swap3A_195] {strides = array<i32>} : memref<4096xi32, #tpu.memory_space<vmem>>, vector<16xi32>,
      %swap3A_197 = vector.shape_cast %swap3A_196 : vector<16xi32> to vector<16xi32>
      %swap3A_198 = vector.shape_cast %add3A_192 : vector<16xi32> to vector<16xi32>
      tpu.vector_store %arg14[%swap3A_195], %swap3A_198 {strides = array<i32>} : memref<4096xi32, #tpu.memory_space<vmem>>, vector<16xi32>,
      %add3A_199 = arith.constant 384 : i32
      %add3A_200 = vector.broadcast %add3A_199 : i32 to vector<16xi32>
      %add3A_201 = arith.addi %add3A_163, %add3A_200 : vector<16xi32>
      %add3A_202 = arith.constant 384 : i32
      %add3A_203 = arith.addi %add3A_172, %add3A_202 : i32
      %swap3A_204 = arith.index_cast %add3A_203 : i32 to index
      %swap3A_205 = tpu.vector_load %arg14[%swap3A_204] {strides = array<i32>} : memref<4096xi32, #tpu.memory_space<vmem>>, vector<16xi32>,
      %swap3A_206 = vector.shape_cast %swap3A_205 : vector<16xi32> to vector<16xi32>
      %swap3A_207 = vector.shape_cast %add3A_201 : vector<16xi32> to vector<16xi32>
      tpu.vector_store %arg14[%swap3A_204], %swap3A_207 {strides = array<i32>} : memref<4096xi32, #tpu.memory_space<vmem>>, vector<16xi32>,
      %add3A_208 = arith.constant 512 : i32
      %add3A_209 = vector.broadcast %add3A_208 : i32 to vector<16xi32>
      %add3A_210 = arith.addi %add3A_163, %add3A_209 : vector<16xi32>
      %add3A_211 = arith.constant 512 : i32
      %add3A_212 = arith.addi %add3A_172, %add3A_211 : i32
      %swap3A_213 = arith.index_cast %add3A_212 : i32 to index
      %swap3A_214 = tpu.vector_load %arg14[%swap3A_213] {strides = array<i32>} : memref<4096xi32, #tpu.memory_space<vmem>>, vector<16xi32>,
      %swap3A_215 = vector.shape_cast %swap3A_214 : vector<16xi32> to vector<16xi32>
      %swap3A_216 = vector.shape_cast %add3A_210 : vector<16xi32> to vector<16xi32>
      tpu.vector_store %arg14[%swap3A_213], %swap3A_216 {strides = array<i32>} : memref<4096xi32, #tpu.memory_space<vmem>>, vector<16xi32>,
      %add3A_217 = arith.constant 640 : i32
      %add3A_218 = vector.broadcast %add3A_217 : i32 to vector<16xi32>
      %add3A_219 = arith.addi %add3A_163, %add3A_218 : vector<16xi32>
      %add3A_220 = arith.constant 640 : i32
      %add3A_221 = arith.addi %add3A_172, %add3A_220 : i32
      %swap3A_222 = arith.index_cast %add3A_221 : i32 to index
      %swap3A_223 = tpu.vector_load %arg14[%swap3A_222] {strides = array<i32>} : memref<4096xi32, #tpu.memory_space<vmem>>, vector<16xi32>,
      %swap3A_224 = vector.shape_cast %swap3A_223 : vector<16xi32> to vector<16xi32>
      %swap3A_225 = vector.shape_cast %add3A_219 : vector<16xi32> to vector<16xi32>
      tpu.vector_store %arg14[%swap3A_222], %swap3A_225 {strides = array<i32>} : memref<4096xi32, #tpu.memory_space<vmem>>, vector<16xi32>,
      %add3A_226 = arith.constant 768 : i32
      %add3A_227 = vector.broadcast %add3A_226 : i32 to vector<16xi32>
      %add3A_228 = arith.addi %add3A_163, %add3A_227 : vector<16xi32>
      %add3A_229 = arith.constant 768 : i32
      %add3A_230 = arith.addi %add3A_172, %add3A_229 : i32
      %swap3A_231 = arith.index_cast %add3A_230 : i32 to index
      %swap3A_232 = tpu.vector_load %arg14[%swap3A_231] {strides = array<i32>} : memref<4096xi32, #tpu.memory_space<vmem>>, vector<16xi32>,
      %swap3A_233 = vector.shape_cast %swap3A_232 : vector<16xi32> to vector<16xi32>
      %swap3A_234 = vector.shape_cast %add3A_228 : vector<16xi32> to vector<16xi32>
      tpu.vector_store %arg14[%swap3A_231], %swap3A_234 {strides = array<i32>} : memref<4096xi32, #tpu.memory_space<vmem>>, vector<16xi32>,
      %add3A_235 = arith.constant 896 : i32
      %add3A_236 = vector.broadcast %add3A_235 : i32 to vector<16xi32>
      %add3A_237 = arith.addi %add3A_163, %add3A_236 : vector<16xi32>
      %add3A_238 = arith.constant 896 : i32
      %add3A_239 = arith.addi %add3A_172, %add3A_238 : i32
      %swap3A_240 = arith.index_cast %add3A_239 : i32 to index
      %swap3A_241 = tpu.vector_load %arg14[%swap3A_240] {strides = array<i32>} : memref<4096xi32, #tpu.memory_space<vmem>>, vector<16xi32>,
      %swap3A_242 = vector.shape_cast %swap3A_241 : vector<16xi32> to vector<16xi32>
      %swap3A_243 = vector.shape_cast %add3A_237 : vector<16xi32> to vector<16xi32>
      tpu.vector_store %arg14[%swap3A_240], %swap3A_243 {strides = array<i32>} : memref<4096xi32, #tpu.memory_space<vmem>>, vector<16xi32>,
    }
    %scan3A_15 = arith.constant 16 : i32
    %dma_start3A_16 = arith.constant 0 : i32
    %dma_start3A_17 = tpu.memref_slice %arg16[%dma_start3A_16] : memref<4096xf32, #tpu.memory_space<vmem>> -> memref<2048xf32, #tpu.memory_space<vmem>>
    %dma_start3A_18 = arith.constant 0 : i32
    %dma_start3A_19 = tpu.memref_slice %arg14[%dma_start3A_18] : memref<4096xi32, #tpu.memory_space<vmem>> -> memref<2048xi32, #tpu.memory_space<vmem>>
    %dma_start3A_20 = arith.constant 0 : i32
    %dma_start3A_21 = tpu.memref_slice %arg6[%dma_start3A_20] : memref<800768xf32, #tpu.memory_space<hbm>> -> memref<800768xf32, #tpu.memory_space<hbm>>
    tpu.enqueue_indirect_dma source(%dma_start3A_21 : memref<800768xf32, #tpu.memory_space<hbm>>) target(%dma_start3A_17 : memref<2048xf32, #tpu.memory_space<vmem>>) offsets(%dma_start3A_19 : memref<2048xi32, #tpu.memory_space<vmem>>) semaphore(%arg19 : memref<!tpu.dma_semaphore, #tpu.memory_space<semaphore_mem>>)
    %scan3A_22 = arith.constant 0 : i32
    %scan3A_23 = arith.constant 16 : i32
    %scan3A_24 = arith.constant 16 : i32
    %scan3A_25 = arith.addi %scan3A_23, %scan3A_24 : i32
    %scan3A_26 = arith.constant 1 : i32
    scf.for %scan3A_152 = %scan3A_23 to %scan3A_25 step %scan3A_26  : i32 {
      %mul3A_153 = arith.constant 16 : i32
      %mul3A_154 = arith.muli %scan3A_152, %mul3A_153 : i32
      %get3A = arith.index_cast %mul3A_154 : i32 to index
      %get3A_155 = tpu.vector_load %arg10[%get3A] {strides = array<i32>} : memref<512xi32, #tpu.memory_space<vmem>>, vector<16xi32>,
      %get3A_156 = vector.shape_cast %get3A_155 : vector<16xi32> to vector<16xi32>
      %shift_right_arithmetic3A = arith.constant 7 : i32
      %shift_right_arithmetic3A_157 = vector.broadcast %shift_right_arithmetic3A : i32 to vector<16xi32>
      %shift_right_arithmetic3A_158 = arith.shrsi %get3A_156, %shift_right_arithmetic3A_157 : vector<16xi32>
      %shift_left3A = arith.constant 10 : i32
      %shift_left3A_159 = vector.broadcast %shift_left3A : i32 to vector<16xi32>
      %shift_left3A_160 = arith.shli %shift_right_arithmetic3A_158, %shift_left3A_159 : vector<16xi32>
      %and3A = arith.constant 127 : i32
      %and3A_161 = vector.broadcast %and3A : i32 to vector<16xi32>
      %and3A_162 = arith.andi %get3A_156, %and3A_161 : vector<16xi32>
      %add3A_163 = arith.addi %shift_left3A_160, %and3A_162 : vector<16xi32>
      %shift_right_arithmetic3A_164 = arith.constant 3 : i32
      %shift_right_arithmetic3A_165 = arith.shrsi %scan3A_152, %shift_right_arithmetic3A_164 : i32
      %mul3A_166 = arith.constant 1024 : i32
      %mul3A_167 = arith.muli %shift_right_arithmetic3A_165, %mul3A_166 : i32
      %and3A_168 = arith.constant 7 : i32
      %and3A_169 = arith.andi %scan3A_152, %and3A_168 : i32
      %mul3A_170 = arith.constant 16 : i32
      %mul3A_171 = arith.muli %and3A_169, %mul3A_170 : i32
      %add3A_172 = arith.addi %mul3A_167, %mul3A_171 : i32
      %add3A_173 = arith.constant 0 : i32
      %add3A_174 = vector.broadcast %add3A_173 : i32 to vector<16xi32>
      %add3A_175 = arith.addi %add3A_163, %add3A_174 : vector<16xi32>
      %add3A_176 = arith.constant 0 : i32
      %add3A_177 = arith.addi %add3A_172, %add3A_176 : i32
      %swap3A = arith.index_cast %add3A_177 : i32 to index
      %swap3A_178 = tpu.vector_load %arg14[%swap3A] {strides = array<i32>} : memref<4096xi32, #tpu.memory_space<vmem>>, vector<16xi32>,
      %swap3A_179 = vector.shape_cast %swap3A_178 : vector<16xi32> to vector<16xi32>
      %swap3A_180 = vector.shape_cast %add3A_175 : vector<16xi32> to vector<16xi32>
      tpu.vector_store %arg14[%swap3A], %swap3A_180 {strides = array<i32>} : memref<4096xi32, #tpu.memory_space<vmem>>, vector<16xi32>,
      %add3A_181 = arith.constant 128 : i32
      %add3A_182 = vector.broadcast %add3A_181 : i32 to vector<16xi32>
      %add3A_183 = arith.addi %add3A_163, %add3A_182 : vector<16xi32>
      %add3A_184 = arith.constant 128 : i32
      %add3A_185 = arith.addi %add3A_172, %add3A_184 : i32
      %swap3A_186 = arith.index_cast %add3A_185 : i32 to index
      %swap3A_187 = tpu.vector_load %arg14[%swap3A_186] {strides = array<i32>} : memref<4096xi32, #tpu.memory_space<vmem>>, vector<16xi32>,
      %swap3A_188 = vector.shape_cast %swap3A_187 : vector<16xi32> to vector<16xi32>
      %swap3A_189 = vector.shape_cast %add3A_183 : vector<16xi32> to vector<16xi32>
      tpu.vector_store %arg14[%swap3A_186], %swap3A_189 {strides = array<i32>} : memref<4096xi32, #tpu.memory_space<vmem>>, vector<16xi32>,
      %add3A_190 = arith.constant 256 : i32
      %add3A_191 = vector.broadcast %add3A_190 : i32 to vector<16xi32>
      %add3A_192 = arith.addi %add3A_163, %add3A_191 : vector<16xi32>
      %add3A_193 = arith.constant 256 : i32
      %add3A_194 = arith.addi %add3A_172, %add3A_193 : i32
      %swap3A_195 = arith.index_cast %add3A_194 : i32 to index
      %swap3A_196 = tpu.vector_load %arg14[%swap3A_195] {strides = array<i32>} : memref<4096xi32, #tpu.memory_space<vmem>>, vector<16xi32>,
      %swap3A_197 = vector.shape_cast %swap3A_196 : vector<16xi32> to vector<16xi32>
      %swap3A_198 = vector.shape_cast %add3A_192 : vector<16xi32> to vector<16xi32>
      tpu.vector_store %arg14[%swap3A_195], %swap3A_198 {strides = array<i32>} : memref<4096xi32, #tpu.memory_space<vmem>>, vector<16xi32>,
      %add3A_199 = arith.constant 384 : i32
      %add3A_200 = vector.broadcast %add3A_199 : i32 to vector<16xi32>
      %add3A_201 = arith.addi %add3A_163, %add3A_200 : vector<16xi32>
      %add3A_202 = arith.constant 384 : i32
      %add3A_203 = arith.addi %add3A_172, %add3A_202 : i32
      %swap3A_204 = arith.index_cast %add3A_203 : i32 to index
      %swap3A_205 = tpu.vector_load %arg14[%swap3A_204] {strides = array<i32>} : memref<4096xi32, #tpu.memory_space<vmem>>, vector<16xi32>,
      %swap3A_206 = vector.shape_cast %swap3A_205 : vector<16xi32> to vector<16xi32>
      %swap3A_207 = vector.shape_cast %add3A_201 : vector<16xi32> to vector<16xi32>
      tpu.vector_store %arg14[%swap3A_204], %swap3A_207 {strides = array<i32>} : memref<4096xi32, #tpu.memory_space<vmem>>, vector<16xi32>,
      %add3A_208 = arith.constant 512 : i32
      %add3A_209 = vector.broadcast %add3A_208 : i32 to vector<16xi32>
      %add3A_210 = arith.addi %add3A_163, %add3A_209 : vector<16xi32>
      %add3A_211 = arith.constant 512 : i32
      %add3A_212 = arith.addi %add3A_172, %add3A_211 : i32
      %swap3A_213 = arith.index_cast %add3A_212 : i32 to index
      %swap3A_214 = tpu.vector_load %arg14[%swap3A_213] {strides = array<i32>} : memref<4096xi32, #tpu.memory_space<vmem>>, vector<16xi32>,
      %swap3A_215 = vector.shape_cast %swap3A_214 : vector<16xi32> to vector<16xi32>
      %swap3A_216 = vector.shape_cast %add3A_210 : vector<16xi32> to vector<16xi32>
      tpu.vector_store %arg14[%swap3A_213], %swap3A_216 {strides = array<i32>} : memref<4096xi32, #tpu.memory_space<vmem>>, vector<16xi32>,
      %add3A_217 = arith.constant 640 : i32
      %add3A_218 = vector.broadcast %add3A_217 : i32 to vector<16xi32>
      %add3A_219 = arith.addi %add3A_163, %add3A_218 : vector<16xi32>
      %add3A_220 = arith.constant 640 : i32
      %add3A_221 = arith.addi %add3A_172, %add3A_220 : i32
      %swap3A_222 = arith.index_cast %add3A_221 : i32 to index
      %swap3A_223 = tpu.vector_load %arg14[%swap3A_222] {strides = array<i32>} : memref<4096xi32, #tpu.memory_space<vmem>>, vector<16xi32>,
      %swap3A_224 = vector.shape_cast %swap3A_223 : vector<16xi32> to vector<16xi32>
      %swap3A_225 = vector.shape_cast %add3A_219 : vector<16xi32> to vector<16xi32>
      tpu.vector_store %arg14[%swap3A_222], %swap3A_225 {strides = array<i32>} : memref<4096xi32, #tpu.memory_space<vmem>>, vector<16xi32>,
      %add3A_226 = arith.constant 768 : i32
      %add3A_227 = vector.broadcast %add3A_226 : i32 to vector<16xi32>
      %add3A_228 = arith.addi %add3A_163, %add3A_227 : vector<16xi32>
      %add3A_229 = arith.constant 768 : i32
      %add3A_230 = arith.addi %add3A_172, %add3A_229 : i32
      %swap3A_231 = arith.index_cast %add3A_230 : i32 to index
      %swap3A_232 = tpu.vector_load %arg14[%swap3A_231] {strides = array<i32>} : memref<4096xi32, #tpu.memory_space<vmem>>, vector<16xi32>,
      %swap3A_233 = vector.shape_cast %swap3A_232 : vector<16xi32> to vector<16xi32>
      %swap3A_234 = vector.shape_cast %add3A_228 : vector<16xi32> to vector<16xi32>
      tpu.vector_store %arg14[%swap3A_231], %swap3A_234 {strides = array<i32>} : memref<4096xi32, #tpu.memory_space<vmem>>, vector<16xi32>,
      %add3A_235 = arith.constant 896 : i32
      %add3A_236 = vector.broadcast %add3A_235 : i32 to vector<16xi32>
      %add3A_237 = arith.addi %add3A_163, %add3A_236 : vector<16xi32>
      %add3A_238 = arith.constant 896 : i32
      %add3A_239 = arith.addi %add3A_172, %add3A_238 : i32
      %swap3A_240 = arith.index_cast %add3A_239 : i32 to index
      %swap3A_241 = tpu.vector_load %arg14[%swap3A_240] {strides = array<i32>} : memref<4096xi32, #tpu.memory_space<vmem>>, vector<16xi32>,
      %swap3A_242 = vector.shape_cast %swap3A_241 : vector<16xi32> to vector<16xi32>
      %swap3A_243 = vector.shape_cast %add3A_237 : vector<16xi32> to vector<16xi32>
      tpu.vector_store %arg14[%swap3A_240], %swap3A_243 {strides = array<i32>} : memref<4096xi32, #tpu.memory_space<vmem>>, vector<16xi32>,
    }
    %scan3A_27 = arith.constant 16 : i32
    %dma_start3A_28 = arith.constant 2048 : i32
    %dma_start3A_29 = tpu.memref_slice %arg16[%dma_start3A_28] : memref<4096xf32, #tpu.memory_space<vmem>> -> memref<2048xf32, #tpu.memory_space<vmem>>
    %dma_start3A_30 = arith.constant 2048 : i32
    %dma_start3A_31 = tpu.memref_slice %arg14[%dma_start3A_30] : memref<4096xi32, #tpu.memory_space<vmem>> -> memref<2048xi32, #tpu.memory_space<vmem>>
    %dma_start3A_32 = arith.constant 0 : i32
    %dma_start3A_33 = tpu.memref_slice %arg6[%dma_start3A_32] : memref<800768xf32, #tpu.memory_space<hbm>> -> memref<800768xf32, #tpu.memory_space<hbm>>
    tpu.enqueue_indirect_dma source(%dma_start3A_33 : memref<800768xf32, #tpu.memory_space<hbm>>) target(%dma_start3A_29 : memref<2048xf32, #tpu.memory_space<vmem>>) offsets(%dma_start3A_31 : memref<2048xi32, #tpu.memory_space<vmem>>) semaphore(%arg21 : memref<!tpu.dma_semaphore, #tpu.memory_space<semaphore_mem>>)
    %dma_wait3A_34 = tpu.memref_slice %arg3[%mul3A_2] : memref<16384xi32, #tpu.memory_space<hbm>> -> memref<512xi32, #tpu.memory_space<hbm>>
    %dma_wait3A_35 = tpu.memref_slice %arg3[%mul3A_2] : memref<16384xi32, #tpu.memory_space<hbm>> -> memref<512xi32, #tpu.memory_space<hbm>>
    tpu.wait_dma2 semaphore(%arg18 : memref<!tpu.dma_semaphore, #tpu.memory_space<semaphore_mem>>) src(%dma_wait3A_35 : memref<512xi32, #tpu.memory_space<hbm>>) dst(%arg11 : memref<512xi32, #tpu.memory_space<vmem>>)
    %dma_wait3A_36 = tpu.memref_slice %arg4[%mul3A_2] : memref<16384xi32, #tpu.memory_space<hbm>> -> memref<512xi32, #tpu.memory_space<hbm>>
    %dma_wait3A_37 = tpu.memref_slice %arg4[%mul3A_2] : memref<16384xi32, #tpu.memory_space<hbm>> -> memref<512xi32, #tpu.memory_space<hbm>>
    tpu.wait_dma2 semaphore(%arg18 : memref<!tpu.dma_semaphore, #tpu.memory_space<semaphore_mem>>) src(%dma_wait3A_37 : memref<512xi32, #tpu.memory_space<hbm>>) dst(%arg12 : memref<512xi32, #tpu.memory_space<vmem>>)
    %dma_wait3A_38 = tpu.memref_slice %arg5[%mul3A_2] : memref<16384xi32, #tpu.memory_space<hbm>> -> memref<512xi32, #tpu.memory_space<hbm>>
    %dma_wait3A_39 = tpu.memref_slice %arg5[%mul3A_2] : memref<16384xi32, #tpu.memory_space<hbm>> -> memref<512xi32, #tpu.memory_space<hbm>>
    tpu.wait_dma2 semaphore(%arg18 : memref<!tpu.dma_semaphore, #tpu.memory_space<semaphore_mem>>) src(%dma_wait3A_39 : memref<512xi32, #tpu.memory_space<hbm>>) dst(%arg13 : memref<512xi32, #tpu.memory_space<vmem>>)
    %scan3A_40 = arith.constant 0 : i32
    %scan3A_41 = arith.constant 0 : i32
    %scan3A_42 = arith.constant 16 : i32
    %scan3A_43 = arith.addi %scan3A_41, %scan3A_42 : i32
    %scan3A_44 = arith.constant 1 : i32
    scf.for %scan3A_152 = %scan3A_41 to %scan3A_43 step %scan3A_44  : i32 {
      %mul3A_153 = arith.constant 16 : i32
      %mul3A_154 = arith.muli %scan3A_152, %mul3A_153 : i32
      %get3A = arith.index_cast %mul3A_154 : i32 to index
      %get3A_155 = tpu.vector_load %arg11[%get3A] {strides = array<i32>} : memref<512xi32, #tpu.memory_space<vmem>>, vector<16xi32>,
      %get3A_156 = vector.shape_cast %get3A_155 : vector<16xi32> to vector<16xi32>
      %mul3A_157 = arith.constant 64 : i32
      %mul3A_158 = vector.broadcast %mul3A_157 : i32 to vector<16xi32>
      %mul3A_159 = arith.muli %get3A_156, %mul3A_158 : vector<16xi32>
      %get3A_160 = arith.index_cast %mul3A_154 : i32 to index
      %get3A_161 = tpu.vector_load %arg12[%get3A_160] {strides = array<i32>} : memref<512xi32, #tpu.memory_space<vmem>>, vector<16xi32>,
      %get3A_162 = vector.shape_cast %get3A_161 : vector<16xi32> to vector<16xi32>
      %mul3A_163 = arith.constant 8 : i32
      %mul3A_164 = vector.broadcast %mul3A_163 : i32 to vector<16xi32>
      %mul3A_165 = arith.muli %get3A_162, %mul3A_164 : vector<16xi32>
      %add3A_166 = arith.addi %mul3A_159, %mul3A_165 : vector<16xi32>
      %get3A_167 = arith.index_cast %mul3A_154 : i32 to index
      %get3A_168 = tpu.vector_load %arg13[%get3A_167] {strides = array<i32>} : memref<512xi32, #tpu.memory_space<vmem>>, vector<16xi32>,
      %get3A_169 = vector.shape_cast %get3A_168 : vector<16xi32> to vector<16xi32>
      %add3A_170 = arith.addi %add3A_166, %get3A_169 : vector<16xi32>
      %shift_right_arithmetic3A = arith.constant 7 : i32
      %shift_right_arithmetic3A_171 = vector.broadcast %shift_right_arithmetic3A : i32 to vector<16xi32>
      %shift_right_arithmetic3A_172 = arith.shrsi %add3A_170, %shift_right_arithmetic3A_171 : vector<16xi32>
      %shift_left3A = arith.constant 10 : i32
      %shift_left3A_173 = vector.broadcast %shift_left3A : i32 to vector<16xi32>
      %shift_left3A_174 = arith.shli %shift_right_arithmetic3A_172, %shift_left3A_173 : vector<16xi32>
      %and3A = arith.constant 127 : i32
      %and3A_175 = vector.broadcast %and3A : i32 to vector<16xi32>
      %and3A_176 = arith.andi %add3A_170, %and3A_175 : vector<16xi32>
      %add3A_177 = arith.addi %shift_left3A_174, %and3A_176 : vector<16xi32>
      %shift_right_arithmetic3A_178 = arith.constant 3 : i32
      %shift_right_arithmetic3A_179 = arith.shrsi %scan3A_152, %shift_right_arithmetic3A_178 : i32
      %mul3A_180 = arith.constant 1024 : i32
      %mul3A_181 = arith.muli %shift_right_arithmetic3A_179, %mul3A_180 : i32
      %and3A_182 = arith.constant 7 : i32
      %and3A_183 = arith.andi %scan3A_152, %and3A_182 : i32
      %mul3A_184 = arith.constant 16 : i32
      %mul3A_185 = arith.muli %and3A_183, %mul3A_184 : i32
      %add3A_186 = arith.addi %mul3A_181, %mul3A_185 : i32
      %add3A_187 = arith.constant 0 : i32
      %add3A_188 = vector.broadcast %add3A_187 : i32 to vector<16xi32>
      %add3A_189 = arith.addi %add3A_177, %add3A_188 : vector<16xi32>
      %add3A_190 = arith.constant 0 : i32
      %add3A_191 = arith.addi %add3A_186, %add3A_190 : i32
      %swap3A = arith.index_cast %add3A_191 : i32 to index
      %swap3A_192 = tpu.vector_load %arg15[%swap3A] {strides = array<i32>} : memref<4096xi32, #tpu.memory_space<vmem>>, vector<16xi32>,
      %swap3A_193 = vector.shape_cast %swap3A_192 : vector<16xi32> to vector<16xi32>
      %swap3A_194 = vector.shape_cast %add3A_189 : vector<16xi32> to vector<16xi32>
      tpu.vector_store %arg15[%swap3A], %swap3A_194 {strides = array<i32>} : memref<4096xi32, #tpu.memory_space<vmem>>, vector<16xi32>,
      %add3A_195 = arith.constant 128 : i32
      %add3A_196 = vector.broadcast %add3A_195 : i32 to vector<16xi32>
      %add3A_197 = arith.addi %add3A_177, %add3A_196 : vector<16xi32>
      %add3A_198 = arith.constant 128 : i32
      %add3A_199 = arith.addi %add3A_186, %add3A_198 : i32
      %swap3A_200 = arith.index_cast %add3A_199 : i32 to index
      %swap3A_201 = tpu.vector_load %arg15[%swap3A_200] {strides = array<i32>} : memref<4096xi32, #tpu.memory_space<vmem>>, vector<16xi32>,
      %swap3A_202 = vector.shape_cast %swap3A_201 : vector<16xi32> to vector<16xi32>
      %swap3A_203 = vector.shape_cast %add3A_197 : vector<16xi32> to vector<16xi32>
      tpu.vector_store %arg15[%swap3A_200], %swap3A_203 {strides = array<i32>} : memref<4096xi32, #tpu.memory_space<vmem>>, vector<16xi32>,
      %add3A_204 = arith.constant 256 : i32
      %add3A_205 = vector.broadcast %add3A_204 : i32 to vector<16xi32>
      %add3A_206 = arith.addi %add3A_177, %add3A_205 : vector<16xi32>
      %add3A_207 = arith.constant 256 : i32
      %add3A_208 = arith.addi %add3A_186, %add3A_207 : i32
      %swap3A_209 = arith.index_cast %add3A_208 : i32 to index
      %swap3A_210 = tpu.vector_load %arg15[%swap3A_209] {strides = array<i32>} : memref<4096xi32, #tpu.memory_space<vmem>>, vector<16xi32>,
      %swap3A_211 = vector.shape_cast %swap3A_210 : vector<16xi32> to vector<16xi32>
      %swap3A_212 = vector.shape_cast %add3A_206 : vector<16xi32> to vector<16xi32>
      tpu.vector_store %arg15[%swap3A_209], %swap3A_212 {strides = array<i32>} : memref<4096xi32, #tpu.memory_space<vmem>>, vector<16xi32>,
      %add3A_213 = arith.constant 384 : i32
      %add3A_214 = vector.broadcast %add3A_213 : i32 to vector<16xi32>
      %add3A_215 = arith.addi %add3A_177, %add3A_214 : vector<16xi32>
      %add3A_216 = arith.constant 384 : i32
      %add3A_217 = arith.addi %add3A_186, %add3A_216 : i32
      %swap3A_218 = arith.index_cast %add3A_217 : i32 to index
      %swap3A_219 = tpu.vector_load %arg15[%swap3A_218] {strides = array<i32>} : memref<4096xi32, #tpu.memory_space<vmem>>, vector<16xi32>,
      %swap3A_220 = vector.shape_cast %swap3A_219 : vector<16xi32> to vector<16xi32>
      %swap3A_221 = vector.shape_cast %add3A_215 : vector<16xi32> to vector<16xi32>
      tpu.vector_store %arg15[%swap3A_218], %swap3A_221 {strides = array<i32>} : memref<4096xi32, #tpu.memory_space<vmem>>, vector<16xi32>,
      %add3A_222 = arith.constant 512 : i32
      %add3A_223 = vector.broadcast %add3A_222 : i32 to vector<16xi32>
      %add3A_224 = arith.addi %add3A_177, %add3A_223 : vector<16xi32>
      %add3A_225 = arith.constant 512 : i32
      %add3A_226 = arith.addi %add3A_186, %add3A_225 : i32
      %swap3A_227 = arith.index_cast %add3A_226 : i32 to index
      %swap3A_228 = tpu.vector_load %arg15[%swap3A_227] {strides = array<i32>} : memref<4096xi32, #tpu.memory_space<vmem>>, vector<16xi32>,
      %swap3A_229 = vector.shape_cast %swap3A_228 : vector<16xi32> to vector<16xi32>
      %swap3A_230 = vector.shape_cast %add3A_224 : vector<16xi32> to vector<16xi32>
      tpu.vector_store %arg15[%swap3A_227], %swap3A_230 {strides = array<i32>} : memref<4096xi32, #tpu.memory_space<vmem>>, vector<16xi32>,
      %add3A_231 = arith.constant 640 : i32
      %add3A_232 = vector.broadcast %add3A_231 : i32 to vector<16xi32>
      %add3A_233 = arith.addi %add3A_177, %add3A_232 : vector<16xi32>
      %add3A_234 = arith.constant 640 : i32
      %add3A_235 = arith.addi %add3A_186, %add3A_234 : i32
      %swap3A_236 = arith.index_cast %add3A_235 : i32 to index
      %swap3A_237 = tpu.vector_load %arg15[%swap3A_236] {strides = array<i32>} : memref<4096xi32, #tpu.memory_space<vmem>>, vector<16xi32>,
      %swap3A_238 = vector.shape_cast %swap3A_237 : vector<16xi32> to vector<16xi32>
      %swap3A_239 = vector.shape_cast %add3A_233 : vector<16xi32> to vector<16xi32>
      tpu.vector_store %arg15[%swap3A_236], %swap3A_239 {strides = array<i32>} : memref<4096xi32, #tpu.memory_space<vmem>>, vector<16xi32>,
      %add3A_240 = arith.constant 768 : i32
      %add3A_241 = vector.broadcast %add3A_240 : i32 to vector<16xi32>
      %add3A_242 = arith.addi %add3A_177, %add3A_241 : vector<16xi32>
      %add3A_243 = arith.constant 768 : i32
      %add3A_244 = arith.addi %add3A_186, %add3A_243 : i32
      %swap3A_245 = arith.index_cast %add3A_244 : i32 to index
      %swap3A_246 = tpu.vector_load %arg15[%swap3A_245] {strides = array<i32>} : memref<4096xi32, #tpu.memory_space<vmem>>, vector<16xi32>,
      %swap3A_247 = vector.shape_cast %swap3A_246 : vector<16xi32> to vector<16xi32>
      %swap3A_248 = vector.shape_cast %add3A_242 : vector<16xi32> to vector<16xi32>
      tpu.vector_store %arg15[%swap3A_245], %swap3A_248 {strides = array<i32>} : memref<4096xi32, #tpu.memory_space<vmem>>, vector<16xi32>,
      %add3A_249 = arith.constant 896 : i32
      %add3A_250 = vector.broadcast %add3A_249 : i32 to vector<16xi32>
      %add3A_251 = arith.addi %add3A_177, %add3A_250 : vector<16xi32>
      %add3A_252 = arith.constant 896 : i32
      %add3A_253 = arith.addi %add3A_186, %add3A_252 : i32
      %swap3A_254 = arith.index_cast %add3A_253 : i32 to index
      %swap3A_255 = tpu.vector_load %arg15[%swap3A_254] {strides = array<i32>} : memref<4096xi32, #tpu.memory_space<vmem>>, vector<16xi32>,
      %swap3A_256 = vector.shape_cast %swap3A_255 : vector<16xi32> to vector<16xi32>
      %swap3A_257 = vector.shape_cast %add3A_251 : vector<16xi32> to vector<16xi32>
      tpu.vector_store %arg15[%swap3A_254], %swap3A_257 {strides = array<i32>} : memref<4096xi32, #tpu.memory_space<vmem>>, vector<16xi32>,
    }
    %scan3A_45 = arith.constant 16 : i32
    %dma_start3A_46 = arith.constant 0 : i32
    %dma_start3A_47 = tpu.memref_slice %arg17[%dma_start3A_46] : memref<4096xf32, #tpu.memory_space<vmem>> -> memref<2048xf32, #tpu.memory_space<vmem>>
    %dma_start3A_48 = arith.constant 0 : i32
    %dma_start3A_49 = tpu.memref_slice %arg15[%dma_start3A_48] : memref<4096xi32, #tpu.memory_space<vmem>> -> memref<2048xi32, #tpu.memory_space<vmem>>
    %dma_start3A_50 = arith.constant 0 : i32
    %dma_start3A_51 = tpu.memref_slice %arg7[%dma_start3A_50] : memref<51200000xf32, #tpu.memory_space<hbm>> -> memref<51200000xf32, #tpu.memory_space<hbm>>
    tpu.enqueue_indirect_dma source(%dma_start3A_51 : memref<51200000xf32, #tpu.memory_space<hbm>>) target(%dma_start3A_47 : memref<2048xf32, #tpu.memory_space<vmem>>) offsets(%dma_start3A_49 : memref<2048xi32, #tpu.memory_space<vmem>>) semaphore(%arg20 : memref<!tpu.dma_semaphore, #tpu.memory_space<semaphore_mem>>)
    %scan3A_52 = arith.constant 0 : i32
    %scan3A_53 = arith.constant 16 : i32
    %scan3A_54 = arith.constant 16 : i32
    %scan3A_55 = arith.addi %scan3A_53, %scan3A_54 : i32
    %scan3A_56 = arith.constant 1 : i32
    scf.for %scan3A_152 = %scan3A_53 to %scan3A_55 step %scan3A_56  : i32 {
      %mul3A_153 = arith.constant 16 : i32
      %mul3A_154 = arith.muli %scan3A_152, %mul3A_153 : i32
      %get3A = arith.index_cast %mul3A_154 : i32 to index
      %get3A_155 = tpu.vector_load %arg11[%get3A] {strides = array<i32>} : memref<512xi32, #tpu.memory_space<vmem>>, vector<16xi32>,
      %get3A_156 = vector.shape_cast %get3A_155 : vector<16xi32> to vector<16xi32>
      %mul3A_157 = arith.constant 64 : i32
      %mul3A_158 = vector.broadcast %mul3A_157 : i32 to vector<16xi32>
      %mul3A_159 = arith.muli %get3A_156, %mul3A_158 : vector<16xi32>
      %get3A_160 = arith.index_cast %mul3A_154 : i32 to index
      %get3A_161 = tpu.vector_load %arg12[%get3A_160] {strides = array<i32>} : memref<512xi32, #tpu.memory_space<vmem>>, vector<16xi32>,
      %get3A_162 = vector.shape_cast %get3A_161 : vector<16xi32> to vector<16xi32>
      %mul3A_163 = arith.constant 8 : i32
      %mul3A_164 = vector.broadcast %mul3A_163 : i32 to vector<16xi32>
      %mul3A_165 = arith.muli %get3A_162, %mul3A_164 : vector<16xi32>
      %add3A_166 = arith.addi %mul3A_159, %mul3A_165 : vector<16xi32>
      %get3A_167 = arith.index_cast %mul3A_154 : i32 to index
      %get3A_168 = tpu.vector_load %arg13[%get3A_167] {strides = array<i32>} : memref<512xi32, #tpu.memory_space<vmem>>, vector<16xi32>,
      %get3A_169 = vector.shape_cast %get3A_168 : vector<16xi32> to vector<16xi32>
      %add3A_170 = arith.addi %add3A_166, %get3A_169 : vector<16xi32>
      %shift_right_arithmetic3A = arith.constant 7 : i32
      %shift_right_arithmetic3A_171 = vector.broadcast %shift_right_arithmetic3A : i32 to vector<16xi32>
      %shift_right_arithmetic3A_172 = arith.shrsi %add3A_170, %shift_right_arithmetic3A_171 : vector<16xi32>
      %shift_left3A = arith.constant 10 : i32
      %shift_left3A_173 = vector.broadcast %shift_left3A : i32 to vector<16xi32>
      %shift_left3A_174 = arith.shli %shift_right_arithmetic3A_172, %shift_left3A_173 : vector<16xi32>
      %and3A = arith.constant 127 : i32
      %and3A_175 = vector.broadcast %and3A : i32 to vector<16xi32>
      %and3A_176 = arith.andi %add3A_170, %and3A_175 : vector<16xi32>
      %add3A_177 = arith.addi %shift_left3A_174, %and3A_176 : vector<16xi32>
      %shift_right_arithmetic3A_178 = arith.constant 3 : i32
      %shift_right_arithmetic3A_179 = arith.shrsi %scan3A_152, %shift_right_arithmetic3A_178 : i32
      %mul3A_180 = arith.constant 1024 : i32
      %mul3A_181 = arith.muli %shift_right_arithmetic3A_179, %mul3A_180 : i32
      %and3A_182 = arith.constant 7 : i32
      %and3A_183 = arith.andi %scan3A_152, %and3A_182 : i32
      %mul3A_184 = arith.constant 16 : i32
      %mul3A_185 = arith.muli %and3A_183, %mul3A_184 : i32
      %add3A_186 = arith.addi %mul3A_181, %mul3A_185 : i32
      %add3A_187 = arith.constant 0 : i32
      %add3A_188 = vector.broadcast %add3A_187 : i32 to vector<16xi32>
      %add3A_189 = arith.addi %add3A_177, %add3A_188 : vector<16xi32>
      %add3A_190 = arith.constant 0 : i32
      %add3A_191 = arith.addi %add3A_186, %add3A_190 : i32
      %swap3A = arith.index_cast %add3A_191 : i32 to index
      %swap3A_192 = tpu.vector_load %arg15[%swap3A] {strides = array<i32>} : memref<4096xi32, #tpu.memory_space<vmem>>, vector<16xi32>,
      %swap3A_193 = vector.shape_cast %swap3A_192 : vector<16xi32> to vector<16xi32>
      %swap3A_194 = vector.shape_cast %add3A_189 : vector<16xi32> to vector<16xi32>
      tpu.vector_store %arg15[%swap3A], %swap3A_194 {strides = array<i32>} : memref<4096xi32, #tpu.memory_space<vmem>>, vector<16xi32>,
      %add3A_195 = arith.constant 128 : i32
      %add3A_196 = vector.broadcast %add3A_195 : i32 to vector<16xi32>
      %add3A_197 = arith.addi %add3A_177, %add3A_196 : vector<16xi32>
      %add3A_198 = arith.constant 128 : i32
      %add3A_199 = arith.addi %add3A_186, %add3A_198 : i32
      %swap3A_200 = arith.index_cast %add3A_199 : i32 to index
      %swap3A_201 = tpu.vector_load %arg15[%swap3A_200] {strides = array<i32>} : memref<4096xi32, #tpu.memory_space<vmem>>, vector<16xi32>,
      %swap3A_202 = vector.shape_cast %swap3A_201 : vector<16xi32> to vector<16xi32>
      %swap3A_203 = vector.shape_cast %add3A_197 : vector<16xi32> to vector<16xi32>
      tpu.vector_store %arg15[%swap3A_200], %swap3A_203 {strides = array<i32>} : memref<4096xi32, #tpu.memory_space<vmem>>, vector<16xi32>,
      %add3A_204 = arith.constant 256 : i32
      %add3A_205 = vector.broadcast %add3A_204 : i32 to vector<16xi32>
      %add3A_206 = arith.addi %add3A_177, %add3A_205 : vector<16xi32>
      %add3A_207 = arith.constant 256 : i32
      %add3A_208 = arith.addi %add3A_186, %add3A_207 : i32
      %swap3A_209 = arith.index_cast %add3A_208 : i32 to index
      %swap3A_210 = tpu.vector_load %arg15[%swap3A_209] {strides = array<i32>} : memref<4096xi32, #tpu.memory_space<vmem>>, vector<16xi32>,
      %swap3A_211 = vector.shape_cast %swap3A_210 : vector<16xi32> to vector<16xi32>
      %swap3A_212 = vector.shape_cast %add3A_206 : vector<16xi32> to vector<16xi32>
      tpu.vector_store %arg15[%swap3A_209], %swap3A_212 {strides = array<i32>} : memref<4096xi32, #tpu.memory_space<vmem>>, vector<16xi32>,
      %add3A_213 = arith.constant 384 : i32
      %add3A_214 = vector.broadcast %add3A_213 : i32 to vector<16xi32>
      %add3A_215 = arith.addi %add3A_177, %add3A_214 : vector<16xi32>
      %add3A_216 = arith.constant 384 : i32
      %add3A_217 = arith.addi %add3A_186, %add3A_216 : i32
      %swap3A_218 = arith.index_cast %add3A_217 : i32 to index
      %swap3A_219 = tpu.vector_load %arg15[%swap3A_218] {strides = array<i32>} : memref<4096xi32, #tpu.memory_space<vmem>>, vector<16xi32>,
      %swap3A_220 = vector.shape_cast %swap3A_219 : vector<16xi32> to vector<16xi32>
      %swap3A_221 = vector.shape_cast %add3A_215 : vector<16xi32> to vector<16xi32>
      tpu.vector_store %arg15[%swap3A_218], %swap3A_221 {strides = array<i32>} : memref<4096xi32, #tpu.memory_space<vmem>>, vector<16xi32>,
      %add3A_222 = arith.constant 512 : i32
      %add3A_223 = vector.broadcast %add3A_222 : i32 to vector<16xi32>
      %add3A_224 = arith.addi %add3A_177, %add3A_223 : vector<16xi32>
      %add3A_225 = arith.constant 512 : i32
      %add3A_226 = arith.addi %add3A_186, %add3A_225 : i32
      %swap3A_227 = arith.index_cast %add3A_226 : i32 to index
      %swap3A_228 = tpu.vector_load %arg15[%swap3A_227] {strides = array<i32>} : memref<4096xi32, #tpu.memory_space<vmem>>, vector<16xi32>,
      %swap3A_229 = vector.shape_cast %swap3A_228 : vector<16xi32> to vector<16xi32>
      %swap3A_230 = vector.shape_cast %add3A_224 : vector<16xi32> to vector<16xi32>
      tpu.vector_store %arg15[%swap3A_227], %swap3A_230 {strides = array<i32>} : memref<4096xi32, #tpu.memory_space<vmem>>, vector<16xi32>,
      %add3A_231 = arith.constant 640 : i32
      %add3A_232 = vector.broadcast %add3A_231 : i32 to vector<16xi32>
      %add3A_233 = arith.addi %add3A_177, %add3A_232 : vector<16xi32>
      %add3A_234 = arith.constant 640 : i32
      %add3A_235 = arith.addi %add3A_186, %add3A_234 : i32
      %swap3A_236 = arith.index_cast %add3A_235 : i32 to index
      %swap3A_237 = tpu.vector_load %arg15[%swap3A_236] {strides = array<i32>} : memref<4096xi32, #tpu.memory_space<vmem>>, vector<16xi32>,
      %swap3A_238 = vector.shape_cast %swap3A_237 : vector<16xi32> to vector<16xi32>
      %swap3A_239 = vector.shape_cast %add3A_233 : vector<16xi32> to vector<16xi32>
      tpu.vector_store %arg15[%swap3A_236], %swap3A_239 {strides = array<i32>} : memref<4096xi32, #tpu.memory_space<vmem>>, vector<16xi32>,
      %add3A_240 = arith.constant 768 : i32
      %add3A_241 = vector.broadcast %add3A_240 : i32 to vector<16xi32>
      %add3A_242 = arith.addi %add3A_177, %add3A_241 : vector<16xi32>
      %add3A_243 = arith.constant 768 : i32
      %add3A_244 = arith.addi %add3A_186, %add3A_243 : i32
      %swap3A_245 = arith.index_cast %add3A_244 : i32 to index
      %swap3A_246 = tpu.vector_load %arg15[%swap3A_245] {strides = array<i32>} : memref<4096xi32, #tpu.memory_space<vmem>>, vector<16xi32>,
      %swap3A_247 = vector.shape_cast %swap3A_246 : vector<16xi32> to vector<16xi32>
      %swap3A_248 = vector.shape_cast %add3A_242 : vector<16xi32> to vector<16xi32>
      tpu.vector_store %arg15[%swap3A_245], %swap3A_248 {strides = array<i32>} : memref<4096xi32, #tpu.memory_space<vmem>>, vector<16xi32>,
      %add3A_249 = arith.constant 896 : i32
      %add3A_250 = vector.broadcast %add3A_249 : i32 to vector<16xi32>
      %add3A_251 = arith.addi %add3A_177, %add3A_250 : vector<16xi32>
      %add3A_252 = arith.constant 896 : i32
      %add3A_253 = arith.addi %add3A_186, %add3A_252 : i32
      %swap3A_254 = arith.index_cast %add3A_253 : i32 to index
      %swap3A_255 = tpu.vector_load %arg15[%swap3A_254] {strides = array<i32>} : memref<4096xi32, #tpu.memory_space<vmem>>, vector<16xi32>,
      %swap3A_256 = vector.shape_cast %swap3A_255 : vector<16xi32> to vector<16xi32>
      %swap3A_257 = vector.shape_cast %add3A_251 : vector<16xi32> to vector<16xi32>
      tpu.vector_store %arg15[%swap3A_254], %swap3A_257 {strides = array<i32>} : memref<4096xi32, #tpu.memory_space<vmem>>, vector<16xi32>,
    }
    %scan3A_57 = arith.constant 16 : i32
    %dma_start3A_58 = arith.constant 2048 : i32
    %dma_start3A_59 = tpu.memref_slice %arg17[%dma_start3A_58] : memref<4096xf32, #tpu.memory_space<vmem>> -> memref<2048xf32, #tpu.memory_space<vmem>>
    %dma_start3A_60 = arith.constant 2048 : i32
    %dma_start3A_61 = tpu.memref_slice %arg15[%dma_start3A_60] : memref<4096xi32, #tpu.memory_space<vmem>> -> memref<2048xi32, #tpu.memory_space<vmem>>
    %dma_start3A_62 = arith.constant 0 : i32
    %dma_start3A_63 = tpu.memref_slice %arg7[%dma_start3A_62] : memref<51200000xf32, #tpu.memory_space<hbm>> -> memref<51200000xf32, #tpu.memory_space<hbm>>
    tpu.enqueue_indirect_dma source(%dma_start3A_63 : memref<51200000xf32, #tpu.memory_space<hbm>>) target(%dma_start3A_59 : memref<2048xf32, #tpu.memory_space<vmem>>) offsets(%dma_start3A_61 : memref<2048xi32, #tpu.memory_space<vmem>>) semaphore(%arg22 : memref<!tpu.dma_semaphore, #tpu.memory_space<semaphore_mem>>)
    %dma_wait3A_64 = arith.constant 0 : i32
    %dma_wait3A_65 = tpu.memref_slice %arg16[%dma_wait3A_64] : memref<4096xf32, #tpu.memory_space<vmem>> -> memref<2048xf32, #tpu.memory_space<vmem>>
    %dma_wait3A_66 = arith.constant 0 : i32
    %dma_wait3A_67 = tpu.memref_slice %arg14[%dma_wait3A_66] : memref<4096xi32, #tpu.memory_space<vmem>> -> memref<2048xi32, #tpu.memory_space<vmem>>
    %dma_wait3A_68 = arith.constant 0 : i32
    %dma_wait3A_69 = tpu.memref_slice %arg6[%dma_wait3A_68] : memref<800768xf32, #tpu.memory_space<hbm>> -> memref<800768xf32, #tpu.memory_space<hbm>>
    tpu.wait_indirect_dma semaphore(%arg19 : memref<!tpu.dma_semaphore, #tpu.memory_space<semaphore_mem>>) src(%dma_wait3A_69 : memref<800768xf32, #tpu.memory_space<hbm>>) dst(%dma_wait3A_65 : memref<2048xf32, #tpu.memory_space<vmem>>)
    %mul3A_70 = arith.constant 4096 : i32
    %mul3A_71 = arith.muli %add3A, %mul3A_70 : i32
    %add3A_72 = arith.constant 0 : i32
    %add3A_73 = arith.addi %mul3A_71, %add3A_72 : i32
    %dma_start3A_74 = arith.constant 0 : i32
    %dma_start3A_75 = tpu.memref_slice %arg16[%dma_start3A_74] : memref<4096xf32, #tpu.memory_space<vmem>> -> memref<2048xf32, #tpu.memory_space<vmem>>
    %dma_start3A_76 = tpu.memref_slice %arg8[%add3A_73] : memref<131072xf32, #tpu.memory_space<hbm>> -> memref<2048xf32, #tpu.memory_space<hbm>>
    %dma_start3A_77 = tpu.memref_slice %arg8[%add3A_73] : memref<131072xf32, #tpu.memory_space<hbm>> -> memref<2048xf32, #tpu.memory_space<hbm>>
    %dma_start3A_78 = arith.constant 0 : i32
    %dma_start3A_79 = tpu.memref_slice %arg16[%dma_start3A_78] : memref<4096xf32, #tpu.memory_space<vmem>> -> memref<2048xf32, #tpu.memory_space<vmem>>
    tpu.enqueue_dma source(%dma_start3A_79 : memref<2048xf32, #tpu.memory_space<vmem>>) target(%dma_start3A_77 : memref<2048xf32, #tpu.memory_space<hbm>>) target_semaphore(%arg18 : memref<!tpu.dma_semaphore, #tpu.memory_space<semaphore_mem>>)
    %dma_wait3A_80 = arith.constant 2048 : i32
    %dma_wait3A_81 = tpu.memref_slice %arg16[%dma_wait3A_80] : memref<4096xf32, #tpu.memory_space<vmem>> -> memref<2048xf32, #tpu.memory_space<vmem>>
    %dma_wait3A_82 = arith.constant 2048 : i32
    %dma_wait3A_83 = tpu.memref_slice %arg14[%dma_wait3A_82] : memref<4096xi32, #tpu.memory_space<vmem>> -> memref<2048xi32, #tpu.memory_space<vmem>>
    %dma_wait3A_84 = arith.constant 0 : i32
    %dma_wait3A_85 = tpu.memref_slice %arg6[%dma_wait3A_84] : memref<800768xf32, #tpu.memory_space<hbm>> -> memref<800768xf32, #tpu.memory_space<hbm>>
    tpu.wait_indirect_dma semaphore(%arg21 : memref<!tpu.dma_semaphore, #tpu.memory_space<semaphore_mem>>) src(%dma_wait3A_85 : memref<800768xf32, #tpu.memory_space<hbm>>) dst(%dma_wait3A_81 : memref<2048xf32, #tpu.memory_space<vmem>>)
    %mul3A_86 = arith.constant 4096 : i32
    %mul3A_87 = arith.muli %add3A, %mul3A_86 : i32
    %add3A_88 = arith.constant 2048 : i32
    %add3A_89 = arith.addi %mul3A_87, %add3A_88 : i32
    %dma_start3A_90 = arith.constant 2048 : i32
    %dma_start3A_91 = tpu.memref_slice %arg16[%dma_start3A_90] : memref<4096xf32, #tpu.memory_space<vmem>> -> memref<2048xf32, #tpu.memory_space<vmem>>
    %dma_start3A_92 = tpu.memref_slice %arg8[%add3A_89] : memref<131072xf32, #tpu.memory_space<hbm>> -> memref<2048xf32, #tpu.memory_space<hbm>>
    %dma_start3A_93 = tpu.memref_slice %arg8[%add3A_89] : memref<131072xf32, #tpu.memory_space<hbm>> -> memref<2048xf32, #tpu.memory_space<hbm>>
    %dma_start3A_94 = arith.constant 2048 : i32
    %dma_start3A_95 = tpu.memref_slice %arg16[%dma_start3A_94] : memref<4096xf32, #tpu.memory_space<vmem>> -> memref<2048xf32, #tpu.memory_space<vmem>>
    tpu.enqueue_dma source(%dma_start3A_95 : memref<2048xf32, #tpu.memory_space<vmem>>) target(%dma_start3A_93 : memref<2048xf32, #tpu.memory_space<hbm>>) target_semaphore(%arg18 : memref<!tpu.dma_semaphore, #tpu.memory_space<semaphore_mem>>)
    %dma_wait3A_96 = arith.constant 0 : i32
    %dma_wait3A_97 = tpu.memref_slice %arg17[%dma_wait3A_96] : memref<4096xf32, #tpu.memory_space<vmem>> -> memref<2048xf32, #tpu.memory_space<vmem>>
    %dma_wait3A_98 = arith.constant 0 : i32
    %dma_wait3A_99 = tpu.memref_slice %arg15[%dma_wait3A_98] : memref<4096xi32, #tpu.memory_space<vmem>> -> memref<2048xi32, #tpu.memory_space<vmem>>
    %dma_wait3A_100 = arith.constant 0 : i32
    %dma_wait3A_101 = tpu.memref_slice %arg7[%dma_wait3A_100] : memref<51200000xf32, #tpu.memory_space<hbm>> -> memref<51200000xf32, #tpu.memory_space<hbm>>
    tpu.wait_indirect_dma semaphore(%arg20 : memref<!tpu.dma_semaphore, #tpu.memory_space<semaphore_mem>>) src(%dma_wait3A_101 : memref<51200000xf32, #tpu.memory_space<hbm>>) dst(%dma_wait3A_97 : memref<2048xf32, #tpu.memory_space<vmem>>)
    %mul3A_102 = arith.constant 4096 : i32
    %mul3A_103 = arith.muli %add3A, %mul3A_102 : i32
    %add3A_104 = arith.constant 0 : i32
    %add3A_105 = arith.addi %mul3A_103, %add3A_104 : i32
    %dma_start3A_106 = arith.constant 0 : i32
    %dma_start3A_107 = tpu.memref_slice %arg17[%dma_start3A_106] : memref<4096xf32, #tpu.memory_space<vmem>> -> memref<2048xf32, #tpu.memory_space<vmem>>
    %dma_start3A_108 = tpu.memref_slice %arg9[%add3A_105] : memref<131072xf32, #tpu.memory_space<hbm>> -> memref<2048xf32, #tpu.memory_space<hbm>>
    %dma_start3A_109 = tpu.memref_slice %arg9[%add3A_105] : memref<131072xf32, #tpu.memory_space<hbm>> -> memref<2048xf32, #tpu.memory_space<hbm>>
    %dma_start3A_110 = arith.constant 0 : i32
    %dma_start3A_111 = tpu.memref_slice %arg17[%dma_start3A_110] : memref<4096xf32, #tpu.memory_space<vmem>> -> memref<2048xf32, #tpu.memory_space<vmem>>
    tpu.enqueue_dma source(%dma_start3A_111 : memref<2048xf32, #tpu.memory_space<vmem>>) target(%dma_start3A_109 : memref<2048xf32, #tpu.memory_space<hbm>>) target_semaphore(%arg18 : memref<!tpu.dma_semaphore, #tpu.memory_space<semaphore_mem>>)
    %dma_wait3A_112 = arith.constant 2048 : i32
    %dma_wait3A_113 = tpu.memref_slice %arg17[%dma_wait3A_112] : memref<4096xf32, #tpu.memory_space<vmem>> -> memref<2048xf32, #tpu.memory_space<vmem>>
    %dma_wait3A_114 = arith.constant 2048 : i32
    %dma_wait3A_115 = tpu.memref_slice %arg15[%dma_wait3A_114] : memref<4096xi32, #tpu.memory_space<vmem>> -> memref<2048xi32, #tpu.memory_space<vmem>>
    %dma_wait3A_116 = arith.constant 0 : i32
    %dma_wait3A_117 = tpu.memref_slice %arg7[%dma_wait3A_116] : memref<51200000xf32, #tpu.memory_space<hbm>> -> memref<51200000xf32, #tpu.memory_space<hbm>>
    tpu.wait_indirect_dma semaphore(%arg22 : memref<!tpu.dma_semaphore, #tpu.memory_space<semaphore_mem>>) src(%dma_wait3A_117 : memref<51200000xf32, #tpu.memory_space<hbm>>) dst(%dma_wait3A_113 : memref<2048xf32, #tpu.memory_space<vmem>>)
    %mul3A_118 = arith.constant 4096 : i32
    %mul3A_119 = arith.muli %add3A, %mul3A_118 : i32
    %add3A_120 = arith.constant 2048 : i32
    %add3A_121 = arith.addi %mul3A_119, %add3A_120 : i32
    %dma_start3A_122 = arith.constant 2048 : i32
    %dma_start3A_123 = tpu.memref_slice %arg17[%dma_start3A_122] : memref<4096xf32, #tpu.memory_space<vmem>> -> memref<2048xf32, #tpu.memory_space<vmem>>
    %dma_start3A_124 = tpu.memref_slice %arg9[%add3A_121] : memref<131072xf32, #tpu.memory_space<hbm>> -> memref<2048xf32, #tpu.memory_space<hbm>>
    %dma_start3A_125 = tpu.memref_slice %arg9[%add3A_121] : memref<131072xf32, #tpu.memory_space<hbm>> -> memref<2048xf32, #tpu.memory_space<hbm>>
    %dma_start3A_126 = arith.constant 2048 : i32
    %dma_start3A_127 = tpu.memref_slice %arg17[%dma_start3A_126] : memref<4096xf32, #tpu.memory_space<vmem>> -> memref<2048xf32, #tpu.memory_space<vmem>>
    tpu.enqueue_dma source(%dma_start3A_127 : memref<2048xf32, #tpu.memory_space<vmem>>) target(%dma_start3A_125 : memref<2048xf32, #tpu.memory_space<hbm>>) target_semaphore(%arg18 : memref<!tpu.dma_semaphore, #tpu.memory_space<semaphore_mem>>)
    %dma_wait3A_128 = arith.constant 0 : i32
    %dma_wait3A_129 = tpu.memref_slice %arg16[%dma_wait3A_128] : memref<4096xf32, #tpu.memory_space<vmem>> -> memref<2048xf32, #tpu.memory_space<vmem>>
    %dma_wait3A_130 = tpu.memref_slice %arg8[%add3A_73] : memref<131072xf32, #tpu.memory_space<hbm>> -> memref<2048xf32, #tpu.memory_space<hbm>>
    %dma_wait3A_131 = tpu.memref_slice %arg8[%add3A_73] : memref<131072xf32, #tpu.memory_space<hbm>> -> memref<2048xf32, #tpu.memory_space<hbm>>
    %dma_wait3A_132 = arith.constant 0 : i32
    %dma_wait3A_133 = tpu.memref_slice %arg16[%dma_wait3A_132] : memref<4096xf32, #tpu.memory_space<vmem>> -> memref<2048xf32, #tpu.memory_space<vmem>>
    tpu.wait_dma2 semaphore(%arg18 : memref<!tpu.dma_semaphore, #tpu.memory_space<semaphore_mem>>) src(%dma_wait3A_133 : memref<2048xf32, #tpu.memory_space<vmem>>) dst(%dma_wait3A_131 : memref<2048xf32, #tpu.memory_space<hbm>>)
    %dma_wait3A_134 = arith.constant 2048 : i32
    %dma_wait3A_135 = tpu.memref_slice %arg16[%dma_wait3A_134] : memref<4096xf32, #tpu.memory_space<vmem>> -> memref<2048xf32, #tpu.memory_space<vmem>>
    %dma_wait3A_136 = tpu.memref_slice %arg8[%add3A_89] : memref<131072xf32, #tpu.memory_space<hbm>> -> memref<2048xf32, #tpu.memory_space<hbm>>
    %dma_wait3A_137 = tpu.memref_slice %arg8[%add3A_89] : memref<131072xf32, #tpu.memory_space<hbm>> -> memref<2048xf32, #tpu.memory_space<hbm>>
    %dma_wait3A_138 = arith.constant 2048 : i32
    %dma_wait3A_139 = tpu.memref_slice %arg16[%dma_wait3A_138] : memref<4096xf32, #tpu.memory_space<vmem>> -> memref<2048xf32, #tpu.memory_space<vmem>>
    tpu.wait_dma2 semaphore(%arg18 : memref<!tpu.dma_semaphore, #tpu.memory_space<semaphore_mem>>) src(%dma_wait3A_139 : memref<2048xf32, #tpu.memory_space<vmem>>) dst(%dma_wait3A_137 : memref<2048xf32, #tpu.memory_space<hbm>>)
    %dma_wait3A_140 = arith.constant 0 : i32
    %dma_wait3A_141 = tpu.memref_slice %arg17[%dma_wait3A_140] : memref<4096xf32, #tpu.memory_space<vmem>> -> memref<2048xf32, #tpu.memory_space<vmem>>
    %dma_wait3A_142 = tpu.memref_slice %arg9[%add3A_105] : memref<131072xf32, #tpu.memory_space<hbm>> -> memref<2048xf32, #tpu.memory_space<hbm>>
    %dma_wait3A_143 = tpu.memref_slice %arg9[%add3A_105] : memref<131072xf32, #tpu.memory_space<hbm>> -> memref<2048xf32, #tpu.memory_space<hbm>>
    %dma_wait3A_144 = arith.constant 0 : i32
    %dma_wait3A_145 = tpu.memref_slice %arg17[%dma_wait3A_144] : memref<4096xf32, #tpu.memory_space<vmem>> -> memref<2048xf32, #tpu.memory_space<vmem>>
    tpu.wait_dma2 semaphore(%arg18 : memref<!tpu.dma_semaphore, #tpu.memory_space<semaphore_mem>>) src(%dma_wait3A_145 : memref<2048xf32, #tpu.memory_space<vmem>>) dst(%dma_wait3A_143 : memref<2048xf32, #tpu.memory_space<hbm>>)
    %dma_wait3A_146 = arith.constant 2048 : i32
    %dma_wait3A_147 = tpu.memref_slice %arg17[%dma_wait3A_146] : memref<4096xf32, #tpu.memory_space<vmem>> -> memref<2048xf32, #tpu.memory_space<vmem>>
    %dma_wait3A_148 = tpu.memref_slice %arg9[%add3A_121] : memref<131072xf32, #tpu.memory_space<hbm>> -> memref<2048xf32, #tpu.memory_space<hbm>>
    %dma_wait3A_149 = tpu.memref_slice %arg9[%add3A_121] : memref<131072xf32, #tpu.memory_space<hbm>> -> memref<2048xf32, #tpu.memory_space<hbm>>
    %dma_wait3A_150 = arith.constant 2048 : i32
    %dma_wait3A_151 = tpu.memref_slice %arg17[%dma_wait3A_150] : memref<4096xf32, #tpu.memory_space<vmem>> -> memref<2048xf32, #tpu.memory_space<vmem>>
    tpu.wait_dma2 semaphore(%arg18 : memref<!tpu.dma_semaphore, #tpu.memory_space<semaphore_mem>>) src(%dma_wait3A_151 : memref<2048xf32, #tpu.memory_space<vmem>>) dst(%dma_wait3A_149 : memref<2048xf32, #tpu.memory_space<hbm>>)
    return
  }
}

</mosaic_0001>

<sc_bundles>
// kernel: kernel.3.cloned.1.call-start
scs
__scs_entry_jumppad:
0x0: {  	(pc) =	sbr.rel $0x88, $3  }
0x1: {  	(tag) =	ssettag $0x0;
	lr =	simm.s32 $0x1  }
0x2: {  	[smem:$0x3F9B] =	sst lr;
	_ =	strace $0xD0000000  }
0x3: {  	_ = 	snop  }
0x4: {  	_ = 	snop  }
0x5: {  	_ = 	snop  }
0x6: {  	_ = 	snop  }
0x7: {  	_ = 	snop  }
__scs_overlays_trampoline_lowered:
0x8: {  	[smem:$0x3FAA] =	sst s0  }
0x9: {  	[smem:$0x3FAB] =	sst s1  }
0xa: {  	[smem:$0x3FAC] =	sst s2  }
0xb: {  	[smem:$0x3FAD] =	sst s3  }
0xc: {  	[smem:$0x3FAE] =	sst s4  }
0xd: {  	[smem:$0x3FAF] =	sst s5  }
0xe: {  	[smem:$0x3FB0] =	sst s6  }
0xf: {  	[smem:$0x3FB1] =	sst s7  }
0x10: {  	[smem:$0x3FB2] =	sst s8  }
0x11: {  	[smem:$0x3FB3] =	sst s9;
	s0 =	simm.s32 @!p0 $0x0  }
0x12: {  	s1 =	sld [smem:$0x3F99];
	s0 =	simm.s32 @p0 $0x1  }
0x13: {  	[smem:$0x3FB4] =	sst s0;
	s0 =	simm.s32 @!p1 $0x0  }
0x14: {  	s2 =	sld [smem:$0x3F98];
	s0 =	simm.s32 @p1 $0x1  }
0x15: {  	[smem:$0x3FB5] =	sst s0;
	s0 =	simm.s32 @!p2 $0x0  }
0x16: {  	s3 =	sld [smem:$0x3FDB];
	s0 =	simm.s32 @p2 $0x1  }
0x17: {  	s4 =	simm.s32 $0x1BF5;
	[smem:$0x3FB7] =	sst s0  }
0x18: {  	s0 =	sld [smem:$0x3F9A];
	_ =	swait.ge [sflag:s4], $0x0  }
0x19: {  	s7 =	sld [smem:$0x3F9B]  }
0x1a: {  	s8 =	sadd.s32 $0xFFFFE003, lr  }
0x1b: {  	s9 =	sadd.s32 $0xFFFFFEF7, lr;
	s5 =	simm.s32 $0xFFFFFFFF;
	p2 =	slt.u32 s8, $0xFFFFF086  }
0x1c: {  	p1 =	slt.u32 s9, $0xF7A;
	s5 =	simm.s32 @!p2 $0x0  }
0x1d: {  	s5 =	simm.s32 @p1 $0x1;
	p0 =	seq.s32 s7, s2  }
0x1e: {  	s7 =	smul.u32 @!p0 $0xF7A, s2;
	p2 =	seq.s32 @!p0 s5, $0x0  }
0x1f: {  	s9 =	smul.u32 $0xF7A, s1;
	s8 =	simm.s32 @!p0 $0x1BF5;
	p2 =	por !p2, p0  }
0x20: {  	[sflag:s8] =	ssyncset.s32 @!p0 $0xFFFFF086;
	s6 =	sadd.s32 @!p0 s3, s7;
	s7 =	simm.s32 @!p0 $0x108  }
0x21: {  	s3 =	sadd.s32 s3, s9;
	s6 =	sadd.s32 @!p0 $0x88, s6;
	s7 =	simm.s32 @p2 $0x1082  }
0x22: {  	[simem:s7], [sflag:s8] =	dma.local @!p0 [hbm:s6], $0xF7A  }
0x23: {  	s9 =	sor.u32 $0xD0000000, s2;
	s6 =	simm.s32 $0x108;
	_ =	swait.ge @!p0 [sflag:s8], $0x0  }
0x24: {  	s3 =	sadd.s32 $0x88, s3;
	s6 =	simm.s32 @!p1 $0x1082;
	[sflag:s4] =	ssyncset.s32 $0xFFFFF086  }
0x25: {  	[simem:s6], [sflag:s4] =	dma.local [hbm:s3], $0xF7A  }
0x26: {  	[smem:$0x3F9B] =	sst s1;
	(tag) =	ssettag s2;
	_ =	strace s9  }
0x27: {  	s1 =	sld [smem:$0x3FAB]  }
0x28: {  	s2 =	sld [smem:$0x3FAC]  }
0x29: {  	s4 =	sld [smem:$0x3FAE]  }
0x2a: {  	p0 =	seq.s32 s5, $0x0;
	s5 =	sld [smem:$0x3FAF]  }
0x2b: {  	s6 =	sld [smem:$0x3FB0]  }
0x2c: {  	s7 =	sld [smem:$0x3FB1]  }
0x2d: {  	s3 =	simm.s32 $0x108;
	s8 =	sld [smem:$0x3FB2]  }
0x2e: {  	s3 =	simm.s32 @!p0 $0x1082;
	s9 =	sld [smem:$0x3FB3]  }
0x2f: {  	lr =	sadd.s32 s0, s3;
	s0 =	sld [smem:$0x3FAA]  }
0x30: {  	s3 =	sld [smem:$0x3FAD]  }
0x31: {  	[smem:$0x3FB6] =	sst s10  }
0x32: {  	s10 =	sld [smem:$0x3FB4];
	_ =	sdelay $0x3  }
0x33: {  	p0 =	seq.s32 s10, $0x1;
	s10 =	sld [smem:$0x3FB6];
	_ =	sdelay $0x3  }
0x34: {  	[smem:$0x3FB6] =	sst s10  }
0x35: {  	s10 =	sld [smem:$0x3FB5];
	_ =	sdelay $0x3  }
0x36: {  	p1 =	seq.s32 s10, $0x1;
	s10 =	sld [smem:$0x3FB6];
	_ =	sdelay $0x3  }
0x37: {  	[smem:$0x3FB6] =	sst s10  }
0x38: {  	s10 =	sld [smem:$0x3FB7]  }
0x39: {  	_ = 	snop;
	(pc) =	sbr.ind lr, $3  }
0x3a: {  	_ = 	snop  }
0x3b: {  	_ = 	snop  }
0x3c: {  	p2 =	seq.s32 s10, $0x1;
	s10 =	sld [smem:$0x3FB6]  }
0x3d: {  	_ =	shalt  }
0x3e: {  	_ =	shalt  }
0x3f: {  	_ =	shalt  }
0x40: {  	_ =	shalt  }
0x41: {  	_ =	shalt  }
0x42: {  	_ =	shalt  }
0x43: {  	_ =	shalt  }
0x44: {  	_ =	shalt  }
0x45: {  	_ =	shalt  }
0x46: {  	_ =	shalt  }
0x47: {  	_ =	shalt  }
0x48: {  	_ =	shalt  }
0x49: {  	_ =	shalt  }
0x4a: {  	_ =	shalt  }
0x4b: {  	_ =	shalt  }
0x4c: {  	_ =	shalt  }
0x4d: {  	_ =	shalt  }
0x4e: {  	_ =	shalt  }
0x4f: {  	_ =	shalt  }
0x50: {  	_ =	shalt  }
0x51: {  	_ =	shalt  }
0x52: {  	_ =	shalt  }
0x53: {  	_ =	shalt  }
0x54: {  	_ =	shalt  }
0x55: {  	_ =	shalt  }
0x56: {  	_ =	shalt  }
0x57: {  	_ =	shalt  }
0x58: {  	_ =	shalt  }
0x59: {  	_ =	shalt  }
0x5a: {  	_ =	shalt  }
0x5b: {  	_ =	shalt  }
0x5c: {  	_ =	shalt  }
0x5d: {  	_ =	shalt  }
0x5e: {  	_ =	shalt  }
0x5f: {  	_ =	shalt  }
0x60: {  	_ =	shalt  }
0x61: {  	_ =	shalt  }
0x62: {  	_ =	shalt  }
0x63: {  	_ =	shalt  }
0x64: {  	_ =	shalt  }
0x65: {  	_ =	shalt  }
0x66: {  	_ =	shalt  }
0x67: {  	_ =	shalt  }
0x68: {  	_ =	shalt  }
0x69: {  	_ =	shalt  }
0x6a: {  	_ =	shalt  }
0x6b: {  	_ =	shalt  }
0x6c: {  	_ =	shalt  }
0x6d: {  	_ =	shalt  }
0x6e: {  	_ =	shalt  }
0x6f: {  	_ =	shalt  }
0x70: {  	_ =	shalt  }
0x71: {  	_ =	shalt  }
0x72: {  	_ =	shalt  }
0x73: {  	_ =	shalt  }
0x74: {  	_ =	shalt  }
0x75: {  	_ =	shalt  }
0x76: {  	_ =	shalt  }
0x77: {  	_ =	shalt  }
0x78: {  	_ =	shalt  }
0x79: {  	_ =	shalt  }
0x7a: {  	_ =	shalt  }
0x7b: {  	_ =	shalt  }
0x7c: {  	_ =	shalt  }
0x7d: {  	_ =	shalt  }
0x7e: {  	_ =	shalt  }
0x7f: {  	_ =	shalt  }
0x80: {  	_ =	shalt  }
0x81: {  	_ =	shalt  }
0x82: {  	_ =	shalt  }
0x83: {  	_ =	shalt  }
0x84: {  	_ =	shalt  }
0x85: {  	_ =	shalt  }
0x86: {  	_ =	shalt  }
0x87: {  	_ =	shalt  }
.Lfunc_end0:
.L_simem_size_0:
called_computation_lowered:
.L_overlay_start_0:
0x88: {  	s2 =	sld [smem:$0x3FD9]  }
0x89: {  	s3 =	sld [smem:$0x3FFE];
	_ =	sdelay $0x1  }
0x8a: {  	s1 =	srdreg.scid  }
0x8b: {  	s0 =	sand.u32 $0x1, s1  }
0x8c: {  	s14 =	sshll.u32 s0, $0xA;
	s2 =	sadd.s32 s3, s2  }
0x8d: {  	s2 =	sadd.s32 s2, s14  }
0x8e: {  	[smem:$0x3FC2] =	sst s2  }
0x8f: {  	_ = 	snop  }
0x90: {  	s2 =	sld [smem:$0x3FC9]  }
0x91: {  	s15 =	sld [smem:$0x3FC8]  }
0x92: {  	s4 =	sld [smem:$0x3FD0]  }
0x93: {  	s5 =	sld [smem:$0x3FC7]  }
0x94: {  	s6 =	sld [smem:$0x3FC6]  }
0x95: {  	s8 =	simm.s32 $0xA;
	s9 =	simm.s32 $0x10;
	s7 =	sld [smem:$0x3FC4]  }
0x96: {  	[smem:s9], [sflag:s8] =	dma.local [hbm:s4], $0x1  }
0x97: {  	_ =	swait.eq [sflag:s8], $0x1  }
0x98: {  	[sflag:s8] =	ssyncset.done $0x0  }
0x99: {  	s16 =	sld [smem:$0x10];
	[sflag:s8] =	ssyncadd.s32 $0xFFFFFFFF  }
0x9a: {  	s17 =	sld [smem:$0x11];
	(tm) =	ssettm $0x1  }
0x9b: {  	s18 =	sld [smem:$0x3FFB];
	_ =	sdelay $0x3  }
0x9c: {  	_ =	strace s18  }
0x9d: {  	s9 =	sld [smem:$0x3FFC];
	_ =	sdelay $0x3  }
0x9e: {  	_ =	strace s9  }
0x9f: {  	s9 =	sld [smem:$0x3FFD];
	_ =	sdelay $0x3  }
0xa0: {  	_ =	strace s9  }
0xa1: {  	_ =	strace $0x8FFFFFFF  }
0xa2: {  	s19 =	sld [smem:$0x3FDB];
	_ =	sdelay $0x1  }
0xa3: {  	s10 =	simm.s32 $_scs_section_size  }
0xa4: {  	s11 =	simm.s32 $_size__tile_overlayer_lowered;
	s12 =	simm.s32 $_tile_overlayer_lowered  }
0xa5: {  	s22 =	simm.s32 $0x1BFF;
	s21 =	sshll.u32 s12, $0x1;
	s9 =	sadd.s32 s10, s19  }
0xa6: {  	s13 =	simm.s32 $0x0;
	s20 =	sshll.u32 s11, $0x1;
	s11 =	sadd.s32 s21, s9  }
0xa7: {  	[timem:s13], [sflag:s22] =	dma.local [hbm:s11], s20  }
0xa8: {  	_ =	swait.ge [sflag:s22], s20  }
0xa9: {  	s10 =	ssub.s32 $0x0, s20;
	[sflag:s22] =	ssyncset.done $0x0  }
0xaa: {  	[sflag:s22] =	ssyncadd.s32 s10;
	_ =	sdelay $0x1  }
0xab: {  	s23 =	simm.s32 $0x1B8B  }
0xac: {  	_ =	swait.ge [sflag:s23], $0x1  }
0xad: {  	[sflag:s23] =	ssyncset.done $0x0  }
0xae: {  	s25 =	simm.s32 $0x1B8E;
	s24 =	sld [smem:$0x3FFE];
	[sflag:s23] =	ssyncadd.s32 $0xFFFFFFFF  }
0xaf: {  	s26 =	simm.s32 $execute0_lowered;
	[smem:$0x3FD2] =	sst s25  }
0xb0: {  	s11 =	sshll.u32 s26, $0x1;
	_ =	strace $0x80000046;
	[dreg:$0x1] =	wrdreg $0xFFFFFFFF  }
0xb1: {  	s28 =	simm.s32 $_size_execute0_lowered;
	s9 =	sadd.s32 s9, s11;
	[dreg:$0x0] =	wrdreg $0x0  }
0xb2: {  	s11 =	sshll.u32 s28, $0x1;
	[dreg:$0x2] =	wrdreg s9  }
0xb3: {  	[dreg:$0x3] =	wrdreg s11  }
0xb4: {  	[dreg:$0x4] =	wrdreg $0xC0  }
0xb5: {  	_ =	task [dreg:s13], $0x5FFFF  }
0xb6: {  	[dreg:$0x1] =	wrdreg $0xFFFFFFFF  }
0xb7: {  	[dreg:$0x0] =	wrdreg $0x60  }
0xb8: {  	[dreg:$0x2] =	wrdreg s2  }
0xb9: {  	[dreg:$0x3] =	wrdreg s15  }
0xba: {  	[dreg:$0x4] =	wrdreg s5  }
0xbb: {  	[dreg:$0x5] =	wrdreg s6  }
0xbc: {  	[dreg:$0x6] =	wrdreg s24  }
0xbd: {  	[dreg:$0x7] =	wrdreg s7  }
0xbe: {  	[dreg:$0x8] =	wrdreg s16  }
0xbf: {  	[dreg:$0x9] =	wrdreg s17  }
0xc0: {  	[dreg:$0xa] =	wrdreg $0x9  }
0xc1: {  	_ =	task.clear_ibuf [dreg:s13], $0xBFFFF;
	_ =	strace $0x90000046  }
0xc2: {  	s29 =	simm.s32 $0x9;
	_ =	strace $0x80000048  }
0xc3: {  	_ =	swait.ge [sflag:s29], $0x1  }
0xc4: {  	[sflag:s29] =	ssyncadd.s32 $0xFFFFFFFF  }
0xc5: {  	_ =	strace $0x90000048  }
0xc6: {  	_ =	sfence  }
0xc7: {  	s30 =	sld [smem:$0x0];
	_ =	sdelay $0x2  }
0xc8: {  	s31 =	sshll.u32 s1, $0xD;
	s1 =	sshrl.u32 s1, $0x2  }
0xc9: {  	s3 =	sand.u32 $0x4000, s31;
	s1 =	sadd.s32 s1, s30  }
0xca: {  	s0 =	sor.u32 s3, s0;
	s1 =	sshll.u32 s1, $0x11  }
0xcb: {  	s0 =	sor.u32 s1, s0  }
0xcc: {  	s0 =	sadd.s32 $0x8F2B, s0  }
0xcd: {  	[sflag:s0] =	ssyncadd.remote.s32 $0x1  }
0xce: {  	_ =	sfence.sel $0xFFFF  }
0xcf: {  	[dreg:$0x0] =	wrdreg $0xFFFFFFFF;
	(pc) =	sbr.abs _section_cstart, $3  }
0xd0: {  	[dreg:$0x1] =	wrdreg $0xFFFFFFFF  }
0xd1: {  	_ =	task.clear_ibuf [dreg:s13], $0x2FFFF;
	_ =	strace $0x9FFFFFFF  }
0xd2: {  	(tm) =	ssettm $0x7FFFFFFF  }
0xd3: {  	_ =	shalt  }
tec
execute0_lowered:
.L_overlay_start_1:
0x0: {  	(tag) =	ssettag $0x1  }
0x1: {  	s0 =	rddreg [dreg:$0x0]  }
0x2: {  	s2 =	rddreg [dreg:$0x1]  }
0x3: {  	s7 =	rddreg [dreg:$0x2]  }
0x4: {  	s8 =	rddreg [dreg:$0x3]  }
0x5: {  	s4 =	rddreg [dreg:$0x4]  }
0x6: {  	s1 =	rddreg [dreg:$0x5]  }
0x7: {  	s10 =	rddreg [dreg:$0x6]  }
0x8: {  	s12 =	rddreg [dreg:$0x7]  }
0x9: {  	s5 =	srdreg.scid;
	s6 =	stileid.u32  }
0xa: {  	s3 =	simm.s32 $0x0;
	s17 =	simm.s32 $0x2;
	s18 =	simm.s32 $0x2800  }
0xb: {  	s19 =	simm.s32 $0x800;
	s21 =	simm.s32 $0x3000;
	s22 =	simm.s32 $0x1  }
0xc: {  	s28 =	simm.s32 $0x4;
	s29 =	simm.s32 $0x3;
	s30 =	simm.s32 $0x5  }
0xd: {  	s31 =	simm.s32 $0x0;
	s5 =	sand.u32 $0x1, s5;
	s6 =	sshll.u32 s6, $0x1  }
0xe: {  	[smem:$0x7FF] =	sst s3;
	s4 =	sadd.s32 $0x800, s4;
	s9 =	ssub.s32 $0x2, s5  }
0xf: {  	s11 =	sor.u32 s5, s6;
	_ =	strace $0x80000047;
	s24 =	sshrl.u32 s9, $0x1  }
0x10: {  	s13 =	sshll.u32 s11, $0x6;
	s25 =	sshll.u32 s11, $0x9;
	s14 =	ssub.s32 s9, s24  }
0x11: {  	s5 =	sadd.s32 s0, s13;
	s6 =	sadd.s32 s2, s13;
	s7 =	sadd.s32 s7, s13  }
0x12: {  	s8 =	sadd.s32 s8, s13;
	s9 =	sadd.s32 s10, s25;
	s26 =	sor.u32 $0x100, s25  }
0x13: {  	s11 =	sadd.s32 s12, s25;
	s24 =	simm.s32 $0x3800;
	s10 =	sadd.s32 s10, s26  }
0x14: {  	s12 =	sadd.s32 s12, s26;
	s13 =	smax.u32 s14, $0x1;
	s26 =	simm.s32 $0x4000  }
.LBB2_1:
0x15: {  	[tilespmem:s3], [sflag:$0x2] =	stream.linear.gather [hbm4b:s5+s3], $0x200, $0x38;
	[tilespmem:$0x4800] =	vst v63  }
0x16: {  	s0 =	simm.s32 $0x200  }
0x17: {  	[tilespmem:s0], [sflag:$0x1] =	stream.linear.gather [hbm4b:s6+s3], $0x200, $0x38;
	[tilespmem:$0x4800] =	vst v63  }
0x18: {  	s20 =	simm.s32 $0x400  }
0x19: {  	[tilespmem:s20], [sflag:$0x1] =	stream.linear.gather [hbm4b:s7+s3], $0x200, $0x38;
	[tilespmem:$0x4800] =	vst v63  }
0x1a: {  	s23 =	simm.s32 $0x600  }
0x1b: {  	[tilespmem:s23], [sflag:$0x1] =	stream.linear.gather [hbm4b:s8+s3], $0x200, $0x38;
	[tilespmem:$0x4800] =	vst v63  }
0x1c: {  	_ =	swait.ge [sflag:s17], $0x200  }
0x1d: {  	[sflag:s17] =	ssyncset.done $0x0  }
0x1e: {  	[sflag:s17] =	ssyncadd.s32 $0xFFFFFE00  }
0x1f: {  	v0 =	vld [tilespmem:s3+$0x0];
	_ =	sdelay $0x4  }
0x20: {  	v1 =	vshll.u32 v0, $0x3  }
0x21: {  	s25 =	sand.u32 $0x400, s3;
	s2 =	sand.u32 $0x70, s3;
	v0 =	vand.u32 $0x7F, v0;
	v1 =	vand.u32 $0xFFFFFC00, v1  }
0x22: {  	s0 =	sor.u32 s2, s25;
	v0 =	vor.u32 v0, v1  }
0x23: {  	[tilespmem:s0+$0x800] =	vst v0;
	v1 =	vor.u32 $0x80, v0  }
0x24: {  	v2 =	vor.u32 $0x100, v0;
	[tilespmem:s0+$0x880] =	vst v1  }
0x25: {  	v1 =	vor.u32 $0x180, v0;
	[tilespmem:s0+$0x900] =	vst v2  }
0x26: {  	v2 =	vor.u32 $0x200, v0;
	[tilespmem:s0+$0x980] =	vst v1  }
0x27: {  	v1 =	vor.u32 $0x280, v0;
	[tilespmem:s0+$0xA00] =	vst v2  }
0x28: {  	v2 =	vor.u32 $0x300, v0;
	[tilespmem:s0+$0xA80] =	vst v1  }
0x29: {  	v0 =	vor.u32 $0x380, v0;
	[tilespmem:s0+$0xB00] =	vst v2  }
0x2a: {  	s2 =	simm.s32 $0x10;
	[tilespmem:s0+$0xB80] =	vst v0  }
0x2b: {  	s15 =	simm.s32 $0x100;
	s14 =	simm.s32 $0x0;
	s0 =	simm.s32 $0x80;
	v0 =	vld [tilespmem:s2+$0x0]  }
.LBB2_2:
0x2c: {  	p0 =	sne.s32 s15, $0x780;
	_ =	sdelay $0x3  }
0x2d: {  	s14 =	sadd.s32 $0x10, s14;
	v1 =	vshll.u32 v0, $0x3  }
0x2e: {  	s16 =	sand.u32 $0x400, s0;
	s0 =	smov.u32 s15;
	s20 =	sand.u32 $0x70, s14;
	v0 =	vand.u32 $0x7F, v0;
	v1 =	vand.u32 $0xFFFFFC00, v1  }
0x2f: {  	s16 =	sor.u32 s20, s16;
	v0 =	vor.u32 v0, v1  }
0x30: {  	[tilespmem:s16+$0x800] =	vst v0;
	v1 =	vor.u32 $0x80, v0;
	v2 =	vor.u32 $0x100, v0;
	v3 =	vor.u32 $0x180, v0  }
0x31: {  	v4 =	vor.u32 $0x280, v0;
	v5 =	vor.u32 $0x300, v0;
	[tilespmem:s16+$0x880] =	vst v1;
	v1 =	vor.u32 $0x200, v0  }
0x32: {  	v0 =	vor.u32 $0x380, v0;
	[tilespmem:s16+$0x900] =	vst v2  }
0x33: {  	[tilespmem:s16+$0x980] =	vst v3  }
.Ltmp0:
0x34: {  	[tilespmem:s16+$0xA00] =	vst v1;
	(pc) =	sbr.rel @p0 .LBB2_2-.Ltmp0, $4  }
0x35: {  	[tilespmem:s16+$0xA80] =	vst v4  }
0x36: {  	[tilespmem:s16+$0xB00] =	vst v5  }
0x37: {  	s2 =	sadd.s32 $0x10, s2;
	[tilespmem:s16+$0xB80] =	vst v0  }
0x38: {  	s15 =	sadd.s32 $0x80, s15;
	v0 =	vld [tilespmem:s2+$0x0]  }
0x39: {  	_ =	sdelay $0x3  }
0x3a: {  	s2 =	sadd.s32 $0x10, s14;
	v1 =	vshll.u32 v0, $0x3  }
0x3b: {  	s0 =	sand.u32 $0x400, s0;
	s2 =	sand.u32 $0x70, s2;
	v0 =	vand.u32 $0x7F, v0;
	v1 =	vand.u32 $0xFFFFFC00, v1  }
0x3c: {  	s0 =	sor.u32 s2, s0;
	v0 =	vor.u32 v0, v1  }
0x3d: {  	[tilespmem:s0+$0x800] =	vst v0;
	v1 =	vor.u32 $0x80, v0  }
0x3e: {  	v2 =	vor.u32 $0x100, v0;
	[tilespmem:s0+$0x880] =	vst v1  }
0x3f: {  	v1 =	vor.u32 $0x180, v0;
	[tilespmem:s0+$0x900] =	vst v2  }
0x40: {  	v2 =	vor.u32 $0x200, v0;
	[tilespmem:s0+$0x980] =	vst v1  }
0x41: {  	v1 =	vor.u32 $0x280, v0;
	[tilespmem:s0+$0xA00] =	vst v2  }
0x42: {  	v2 =	vor.u32 $0x300, v0;
	[tilespmem:s0+$0xA80] =	vst v1  }
0x43: {  	v0 =	vor.u32 $0x380, v0;
	[tilespmem:s0+$0xB00] =	vst v2  }
0x44: {  	s23 =	simm.s32 $0x800;
	[tilespmem:s0+$0xB80] =	vst v0;
	s0 =	simm.s32 $0x100  }
0x45: {  	[tilespmem:s18], [sflag:$0x2] =	stream.indirect.gather [hbm4b:s4+s23], $0x1, s23, s23, $0xb8;
	[tilespmem:$0x4800] =	vst v63  }
0x46: {  	v0 =	vld [tilespmem:s0+$0x0];
	_ =	sdelay $0x4  }
0x47: {  	v1 =	vshll.u32 v0, $0x3  }
0x48: {  	s2 =	sand.u32 $0xC00, s23;
	s25 =	sand.u32 $0x70, s0;
	v0 =	vand.u32 $0x7F, v0;
	v1 =	vand.u32 $0xFFFFFC00, v1  }
0x49: {  	s2 =	sor.u32 s25, s2;
	v0 =	vor.u32 v0, v1  }
0x4a: {  	[tilespmem:s2+$0x800] =	vst v0;
	v1 =	vor.u32 $0x80, v0  }
0x4b: {  	v2 =	vor.u32 $0x100, v0;
	[tilespmem:s2+$0x880] =	vst v1  }
0x4c: {  	v1 =	vor.u32 $0x180, v0;
	[tilespmem:s2+$0x900] =	vst v2  }
0x4d: {  	v2 =	vor.u32 $0x200, v0;
	[tilespmem:s2+$0x980] =	vst v1  }
0x4e: {  	v1 =	vor.u32 $0x280, v0;
	[tilespmem:s2+$0xA00] =	vst v2  }
0x4f: {  	v2 =	vor.u32 $0x300, v0;
	[tilespmem:s2+$0xA80] =	vst v1  }
0x50: {  	v0 =	vor.u32 $0x380, v0;
	[tilespmem:s2+$0xB00] =	vst v2  }
0x51: {  	s14 =	simm.s32 $0x110;
	[tilespmem:s2+$0xB80] =	vst v0  }
0x52: {  	s15 =	simm.s32 $0x900;
	s2 =	simm.s32 $0x880;
	v0 =	vld [tilespmem:s14+$0x0]  }
.LBB2_4:
0x53: {  	p0 =	sne.s32 s15, $0xF80;
	_ =	sdelay $0x3  }
0x54: {  	s0 =	sadd.s32 $0x10, s0;
	v1 =	vshll.u32 v0, $0x3  }
0x55: {  	s16 =	sand.u32 $0xC00, s2;
	s2 =	smov.u32 s15;
	s20 =	sand.u32 $0x70, s0;
	v0 =	vand.u32 $0x7F, v0;
	v1 =	vand.u32 $0xFFFFFC00, v1  }
0x56: {  	s16 =	sor.u32 s20, s16;
	v0 =	vor.u32 v0, v1  }
0x57: {  	[tilespmem:s16+$0x800] =	vst v0;
	v1 =	vor.u32 $0x80, v0;
	v2 =	vor.u32 $0x100, v0;
	v3 =	vor.u32 $0x180, v0  }
0x58: {  	v4 =	vor.u32 $0x280, v0;
	v5 =	vor.u32 $0x300, v0;
	[tilespmem:s16+$0x880] =	vst v1;
	v1 =	vor.u32 $0x200, v0  }
0x59: {  	v0 =	vor.u32 $0x380, v0;
	[tilespmem:s16+$0x900] =	vst v2  }
0x5a: {  	[tilespmem:s16+$0x980] =	vst v3  }
.Ltmp1:
0x5b: {  	[tilespmem:s16+$0xA00] =	vst v1;
	(pc) =	sbr.rel @p0 .LBB2_4-.Ltmp1, $4  }
0x5c: {  	[tilespmem:s16+$0xA80] =	vst v4  }
0x5d: {  	[tilespmem:s16+$0xB00] =	vst v5  }
0x5e: {  	s14 =	sadd.s32 $0x10, s14;
	[tilespmem:s16+$0xB80] =	vst v0  }
0x5f: {  	s15 =	sadd.s32 $0x80, s15;
	v0 =	vld [tilespmem:s14+$0x0]  }
0x60: {  	_ =	sdelay $0x3  }
0x61: {  	s0 =	sadd.s32 $0x10, s0;
	v1 =	vshll.u32 v0, $0x3  }
0x62: {  	s2 =	sand.u32 $0xC00, s2;
	s0 =	sand.u32 $0x70, s0;
	v0 =	vand.u32 $0x7F, v0;
	v1 =	vand.u32 $0xFFFFFC00, v1  }
0x63: {  	s0 =	sor.u32 s0, s2;
	v0 =	vor.u32 v0, v1  }
0x64: {  	[tilespmem:s0+$0x800] =	vst v0;
	v1 =	vor.u32 $0x80, v0  }
0x65: {  	v2 =	vor.u32 $0x100, v0;
	[tilespmem:s0+$0x880] =	vst v1  }
0x66: {  	v1 =	vor.u32 $0x180, v0;
	[tilespmem:s0+$0x900] =	vst v2  }
0x67: {  	v2 =	vor.u32 $0x200, v0;
	[tilespmem:s0+$0x980] =	vst v1  }
0x68: {  	v1 =	vor.u32 $0x280, v0;
	[tilespmem:s0+$0xA00] =	vst v2  }
0x69: {  	v2 =	vor.u32 $0x300, v0;
	[tilespmem:s0+$0xA80] =	vst v1  }
0x6a: {  	v0 =	vor.u32 $0x380, v0;
	[tilespmem:s0+$0xB00] =	vst v2  }
0x6b: {  	s15 =	simm.s32 $0x1000;
	[tilespmem:s0+$0xB80] =	vst v0  }
0x6c: {  	[tilespmem:s21], [sflag:$0x4] =	stream.indirect.gather [hbm4b:s4+s19], $0x1, s15, s19, $0xb8;
	[tilespmem:$0x4800] =	vst v63  }
0x6d: {  	_ =	swait.ge [sflag:s22], $0x200  }
0x6e: {  	[sflag:s22] =	ssyncset.done $0x0  }
0x6f: {  	[sflag:s22] =	ssyncadd.s32 $0xFFFFFE00  }
0x70: {  	_ =	swait.ge [sflag:s22], $0x200  }
0x71: {  	[sflag:s22] =	ssyncset.done $0x0  }
0x72: {  	[sflag:s22] =	ssyncadd.s32 $0xFFFFFE00  }
0x73: {  	_ =	swait.ge [sflag:s22], $0x200  }
0x74: {  	[sflag:s22] =	ssyncset.done $0x0  }
0x75: {  	s16 =	simm.s32 $0x400;
	[sflag:s22] =	ssyncadd.s32 $0xFFFFFE00  }
0x76: {  	s20 =	simm.s32 $0x200;
	v0 =	vld [tilespmem:s16+$0x0]  }
0x77: {  	v1 =	vld [tilespmem:s20+$0x0]  }
0x78: {  	s23 =	simm.s32 $0x600  }
0x79: {  	v2 =	vld [tilespmem:s23+$0x0];
	_ =	sdelay $0x2  }
0x7a: {  	v1 =	vshll.u32 v1, $0x6;
	v0 =	vshll.u32 v0, $0x3  }
0x7b: {  	v0 =	vadd.s32 v1, v0  }
0x7c: {  	v0 =	vadd.s32 v2, v0  }
0x7d: {  	s0 =	simm.s32 $0x0;
	v1 =	vshll.u32 v0, $0x3  }
0x7e: {  	s25 =	sand.u32 $0x400, s0;
	s14 =	sand.u32 $0x70, s0;
	v0 =	vand.u32 $0x7F, v0;
	v1 =	vand.u32 $0xFFFFFC00, v1  }
0x7f: {  	s2 =	sor.u32 s14, s25;
	v0 =	vor.u32 v0, v1  }
0x80: {  	[tilespmem:s2+$0x1800] =	vst v0;
	v1 =	vor.u32 $0x380, v0  }
0x81: {  	v2 =	vor.u32 $0x300, v0;
	[tilespmem:s2+$0x1B80] =	vst v1  }
0x82: {  	v1 =	vor.u32 $0x280, v0;
	[tilespmem:s2+$0x1B00] =	vst v2  }
0x83: {  	v2 =	vor.u32 $0x200, v0;
	[tilespmem:s2+$0x1A80] =	vst v1  }
0x84: {  	v1 =	vor.u32 $0x180, v0;
	[tilespmem:s2+$0x1A00] =	vst v2  }
0x85: {  	v2 =	vor.u32 $0x100, v0;
	[tilespmem:s2+$0x1980] =	vst v1  }
0x86: {  	v0 =	vor.u32 $0x80, v0;
	[tilespmem:s2+$0x1900] =	vst v2  }
0x87: {  	s14 =	simm.s32 $0x410;
	[tilespmem:s2+$0x1880] =	vst v0  }
0x88: {  	s15 =	simm.s32 $0x210;
	v0 =	vld [tilespmem:s14+$0x0]  }
0x89: {  	s20 =	simm.s32 $0x20;
	s16 =	simm.s32 $0x610;
	s2 =	simm.s32 $0x10;
	v1 =	vld [tilespmem:s15+$0x0]  }
.LBB2_6:
0x8a: {  	p0 =	sne.s32 s20, $0xF0;
	v2 =	vld [tilespmem:s16+$0x0];
	_ =	sdelay $0x3  }
0x8b: {  	v0 =	vshll.u32 v0, $0x3;
	v1 =	vshll.u32 v1, $0x6  }
0x8c: {  	v0 =	vadd.s32 v1, v0  }
0x8d: {  	v0 =	vadd.s32 v2, v0  }
0x8e: {  	s0 =	sadd.s32 $0x80, s0;
	v1 =	vshll.u32 v0, $0x3  }
0x8f: {  	s25 =	sand.u32 $0x70, s2;
	s2 =	smov.u32 s20;
	s23 =	sand.u32 $0x400, s0;
	v0 =	vand.u32 $0x7F, v0;
	v1 =	vand.u32 $0xFFFFFC00, v1  }
0x90: {  	s23 =	sor.u32 s25, s23;
	v0 =	vor.u32 v0, v1  }
0x91: {  	[tilespmem:s23+$0x1800] =	vst v0;
	v1 =	vor.u32 $0x280, v0;
	v2 =	vor.u32 $0x300, v0;
	v3 =	vor.u32 $0x380, v0  }
0x92: {  	v4 =	vor.u32 $0x100, v0;
	v5 =	vor.u32 $0x180, v0;
	v6 =	vor.u32 $0x200, v0;
	[tilespmem:s23+$0x1B80] =	vst v3  }
0x93: {  	v0 =	vor.u32 $0x80, v0;
	[tilespmem:s23+$0x1B00] =	vst v2  }
0x94: {  	[tilespmem:s23+$0x1A80] =	vst v1  }
0x95: {  	[tilespmem:s23+$0x1A00] =	vst v6  }
.Ltmp2:
0x96: {  	[tilespmem:s23+$0x1980] =	vst v5;
	(pc) =	sbr.rel @p0 .LBB2_6-.Ltmp2, $4  }
0x97: {  	[tilespmem:s23+$0x1900] =	vst v4  }
0x98: {  	s14 =	sadd.s32 $0x10, s14;
	[tilespmem:s23+$0x1880] =	vst v0  }
0x99: {  	s15 =	sadd.s32 $0x10, s15;
	v0 =	vld [tilespmem:s14+$0x0]  }
0x9a: {  	s20 =	sadd.s32 $0x10, s20;
	s16 =	sadd.s32 $0x10, s16;
	v1 =	vld [tilespmem:s15+$0x0]  }
0x9b: {  	_ = 	snop  }
0x9c: {  	v2 =	vld [tilespmem:s16+$0x0];
	_ =	sdelay $0x2  }
0x9d: {  	v0 =	vshll.u32 v0, $0x3;
	v1 =	vshll.u32 v1, $0x6  }
0x9e: {  	v0 =	vadd.s32 v1, v0  }
0x9f: {  	v0 =	vadd.s32 v2, v0  }
0xa0: {  	s0 =	sadd.s32 $0x80, s0;
	v1 =	vshll.u32 v0, $0x3  }
0xa1: {  	s2 =	sand.u32 $0x70, s2;
	s0 =	sand.u32 $0x400, s0;
	v0 =	vand.u32 $0x7F, v0;
	v1 =	vand.u32 $0xFFFFFC00, v1  }
0xa2: {  	s0 =	sor.u32 s2, s0;
	v0 =	vor.u32 v0, v1  }
0xa3: {  	[tilespmem:s0+$0x1800] =	vst v0;
	v1 =	vor.u32 $0x380, v0  }
0xa4: {  	v2 =	vor.u32 $0x300, v0;
	[tilespmem:s0+$0x1B80] =	vst v1  }
0xa5: {  	v1 =	vor.u32 $0x280, v0;
	[tilespmem:s0+$0x1B00] =	vst v2  }
0xa6: {  	v2 =	vor.u32 $0x200, v0;
	[tilespmem:s0+$0x1A80] =	vst v1  }
0xa7: {  	v1 =	vor.u32 $0x180, v0;
	[tilespmem:s0+$0x1A00] =	vst v2  }
0xa8: {  	v2 =	vor.u32 $0x100, v0;
	[tilespmem:s0+$0x1980] =	vst v1  }
0xa9: {  	v0 =	vor.u32 $0x80, v0;
	[tilespmem:s0+$0x1900] =	vst v2  }
0xaa: {  	s15 =	simm.s32 $0x1800;
	s16 =	simm.s32 $0x500;
	[tilespmem:s0+$0x1880] =	vst v0;
	s0 =	simm.s32 $0x800  }
0xab: {  	[tilespmem:s24], [sflag:$0x3] =	stream.indirect.gather [hbm4b:s1+s0], $0x1, s15, s0, $0xb8;
	[tilespmem:$0x4800] =	vst v63  }
0xac: {  	s14 =	simm.s32 $0x300;
	v0 =	vld [tilespmem:s16+$0x0]  }
0xad: {  	v1 =	vld [tilespmem:s14+$0x0]  }
0xae: {  	s20 =	simm.s32 $0x700  }
0xaf: {  	v2 =	vld [tilespmem:s20+$0x0];
	_ =	sdelay $0x2  }
0xb0: {  	v1 =	vshll.u32 v1, $0x6;
	v0 =	vshll.u32 v0, $0x3  }
0xb1: {  	v0 =	vadd.s32 v1, v0  }
0xb2: {  	v0 =	vadd.s32 v2, v0  }
0xb3: {  	s23 =	simm.s32 $0x100;
	v1 =	vshll.u32 v0, $0x3  }
0xb4: {  	s2 =	sand.u32 $0x70, s23;
	s25 =	sand.u32 $0xC00, s0;
	v0 =	vand.u32 $0x7F, v0;
	v1 =	vand.u32 $0xFFFFFC00, v1  }
0xb5: {  	s2 =	sor.u32 s2, s25;
	v0 =	vor.u32 v0, v1  }
0xb6: {  	[tilespmem:s2+$0x1800] =	vst v0;
	v1 =	vor.u32 $0x380, v0  }
0xb7: {  	v2 =	vor.u32 $0x300, v0;
	[tilespmem:s2+$0x1B80] =	vst v1  }
0xb8: {  	v1 =	vor.u32 $0x280, v0;
	[tilespmem:s2+$0x1B00] =	vst v2  }
0xb9: {  	v2 =	vor.u32 $0x200, v0;
	[tilespmem:s2+$0x1A80] =	vst v1  }
0xba: {  	v1 =	vor.u32 $0x180, v0;
	[tilespmem:s2+$0x1A00] =	vst v2  }
0xbb: {  	v2 =	vor.u32 $0x100, v0;
	[tilespmem:s2+$0x1980] =	vst v1  }
0xbc: {  	v0 =	vor.u32 $0x80, v0;
	[tilespmem:s2+$0x1900] =	vst v2  }
0xbd: {  	s14 =	simm.s32 $0x510;
	[tilespmem:s2+$0x1880] =	vst v0  }
0xbe: {  	s15 =	simm.s32 $0x310;
	v0 =	vld [tilespmem:s14+$0x0]  }
0xbf: {  	s20 =	simm.s32 $0x120;
	s16 =	simm.s32 $0x710;
	s2 =	simm.s32 $0x110;
	v1 =	vld [tilespmem:s15+$0x0]  }
.LBB2_8:
0xc0: {  	p0 =	sne.s32 s20, $0x1F0;
	v2 =	vld [tilespmem:s16+$0x0];
	_ =	sdelay $0x3  }
0xc1: {  	v0 =	vshll.u32 v0, $0x3;
	v1 =	vshll.u32 v1, $0x6  }
0xc2: {  	v0 =	vadd.s32 v1, v0  }
0xc3: {  	v0 =	vadd.s32 v2, v0  }
0xc4: {  	s0 =	sadd.s32 $0x80, s0;
	v1 =	vshll.u32 v0, $0x3  }
0xc5: {  	s25 =	sand.u32 $0x70, s2;
	s2 =	smov.u32 s20;
	s23 =	sand.u32 $0xC00, s0;
	v0 =	vand.u32 $0x7F, v0;
	v1 =	vand.u32 $0xFFFFFC00, v1  }
0xc6: {  	s23 =	sor.u32 s25, s23;
	v0 =	vor.u32 v0, v1  }
0xc7: {  	[tilespmem:s23+$0x1800] =	vst v0;
	v1 =	vor.u32 $0x280, v0;
	v2 =	vor.u32 $0x300, v0;
	v3 =	vor.u32 $0x380, v0  }
0xc8: {  	v4 =	vor.u32 $0x100, v0;
	v5 =	vor.u32 $0x180, v0;
	v6 =	vor.u32 $0x200, v0;
	[tilespmem:s23+$0x1B80] =	vst v3  }
0xc9: {  	v0 =	vor.u32 $0x80, v0;
	[tilespmem:s23+$0x1B00] =	vst v2  }
0xca: {  	[tilespmem:s23+$0x1A80] =	vst v1  }
0xcb: {  	[tilespmem:s23+$0x1A00] =	vst v6  }
.Ltmp3:
0xcc: {  	[tilespmem:s23+$0x1980] =	vst v5;
	(pc) =	sbr.rel @p0 .LBB2_8-.Ltmp3, $4  }
0xcd: {  	[tilespmem:s23+$0x1900] =	vst v4  }
0xce: {  	s14 =	sadd.s32 $0x10, s14;
	[tilespmem:s23+$0x1880] =	vst v0  }
0xcf: {  	s15 =	sadd.s32 $0x10, s15;
	v0 =	vld [tilespmem:s14+$0x0]  }
0xd0: {  	s20 =	sadd.s32 $0x10, s20;
	s16 =	sadd.s32 $0x10, s16;
	v1 =	vld [tilespmem:s15+$0x0]  }
0xd1: {  	_ = 	snop  }
0xd2: {  	v2 =	vld [tilespmem:s16+$0x0];
	_ =	sdelay $0x2  }
0xd3: {  	v0 =	vshll.u32 v0, $0x3;
	v1 =	vshll.u32 v1, $0x6  }
0xd4: {  	v0 =	vadd.s32 v1, v0  }
0xd5: {  	v0 =	vadd.s32 v2, v0  }
0xd6: {  	s0 =	sadd.s32 $0x80, s0;
	v58 =	vshll.u32 v0, $0x3  }
0xd7: {  	s2 =	sand.u32 $0x70, s2;
	s0 =	sand.u32 $0xC00, s0;
	v0 =	vand.u32 $0x7F, v0;
	v1 =	vand.u32 $0xFFFFFC00, v58  }
0xd8: {  	s0 =	sor.u32 s2, s0;
	v0 =	vor.u32 v0, v1  }
0xd9: {  	[tilespmem:s0+$0x1800] =	vst v0;
	v1 =	vor.u32 $0x380, v0  }
0xda: {  	v59 =	vor.u32 $0x300, v0;
	[tilespmem:s0+$0x1B80] =	vst v1  }
0xdb: {  	v60 =	vor.u32 $0x280, v0;
	[tilespmem:s0+$0x1B00] =	vst v59  }
0xdc: {  	v61 =	vor.u32 $0x200, v0;
	[tilespmem:s0+$0x1A80] =	vst v60  }
0xdd: {  	v62 =	vor.u32 $0x180, v0;
	[tilespmem:s0+$0x1A00] =	vst v61  }
0xde: {  	v63 =	vor.u32 $0x100, v0;
	[tilespmem:s0+$0x1980] =	vst v62  }
0xdf: {  	v0 =	vor.u32 $0x80, v0;
	[tilespmem:s0+$0x1900] =	vst v63  }
0xe0: {  	s25 =	simm.s32 $0x2000;
	[tilespmem:s0+$0x1880] =	vst v0  }
0xe1: {  	[tilespmem:s26], [sflag:$0x5] =	stream.indirect.gather [hbm4b:s1+s19], $0x1, s25, s19, $0xb8;
	[tilespmem:$0x4800] =	vst v63  }
0xe2: {  	_ =	swait.ge [sflag:s17], $0x800  }
0xe3: {  	[sflag:s17] =	ssyncset.done $0x0  }
0xe4: {  	[sflag:s17] =	ssyncadd.s32 $0xFFFFF800  }
0xe5: {  	[hbm4b:s9+s3] =	stream.linear.scatter [tilespmem:s18], [sflag:$0x1], $0x800, $0x38;
	[tilespmem:$0x4800] =	vst v63  }
0xe6: {  	_ =	swait.ge [sflag:s28], $0x800  }
0xe7: {  	[sflag:s28] =	ssyncset.done $0x0  }
0xe8: {  	[sflag:s28] =	ssyncadd.s32 $0xFFFFF800  }
0xe9: {  	[hbm4b:s10+s3] =	stream.linear.scatter [tilespmem:s21], [sflag:$0x1], $0x800, $0x38;
	[tilespmem:$0x4800] =	vst v63  }
0xea: {  	_ =	swait.ge [sflag:s29], $0x800  }
0xeb: {  	[sflag:s29] =	ssyncset.done $0x0  }
0xec: {  	[sflag:s29] =	ssyncadd.s32 $0xFFFFF800  }
0xed: {  	[hbm4b:s11+s3] =	stream.linear.scatter [tilespmem:s24], [sflag:$0x1], $0x800, $0x38;
	[tilespmem:$0x4800] =	vst v63  }
0xee: {  	_ =	swait.ge [sflag:s30], $0x800  }
0xef: {  	[sflag:s30] =	ssyncset.done $0x0  }
0xf0: {  	[sflag:s30] =	ssyncadd.s32 $0xFFFFF800  }
0xf1: {  	[hbm4b:s12+s3] =	stream.linear.scatter [tilespmem:s26], [sflag:$0x1], $0x800, $0x38;
	[tilespmem:$0x4800] =	vst v63  }
0xf2: {  	_ =	swait.ge [sflag:s22], $0x800  }
0xf3: {  	[sflag:s22] =	ssyncset.done $0x0  }
0xf4: {  	[sflag:s22] =	ssyncadd.s32 $0xFFFFF800  }
0xf5: {  	_ =	swait.ge [sflag:s22], $0x800  }
0xf6: {  	[sflag:s22] =	ssyncset.done $0x0  }
0xf7: {  	s31 =	sadd.s32 $0x1, s31;
	[sflag:s22] =	ssyncadd.s32 $0xFFFFF800  }
0xf8: {  	p0 =	sne.s32 s31, s13;
	_ =	swait.ge [sflag:s22], $0x800  }
.Ltmp4:
0xf9: {  	[sflag:s22] =	ssyncset.done $0x0;
	(pc) =	sbr.rel @p0 .LBB2_1-.Ltmp4, $4  }
0xfa: {  	[sflag:s22] =	ssyncadd.s32 $0xFFFFF800  }
0xfb: {  	_ =	swait.ge [sflag:s22], $0x800  }
0xfc: {  	[sflag:s22] =	ssyncset.done $0x0  }
0xfd: {  	[sflag:s22] =	ssyncadd.s32 $0xFFFFF800  }
0xfe: {  	_ =	sfence.sel $0x180000  }
0xff: {  	[bflag:$0x0] =	sbarrier.arrive $0xFFFF  }
0x100: {  	_ =	strace $0x90000047  }
0x101: {  	s0 =	stileid.u32;
	[bflag:$0x2] =	sbarrier.arrive $0xFFFF  }
0x102: {  	p0 =	sne.s32 s0, $0x0;
	s0 =	rddreg [dreg:$0x8]  }
0x103: {  	s0 =	sadd.s32 @!p0 $0x100000, s0  }
0x104: {  	[sflag:s0] =	ssyncadd.tile.s32 @!p0 $0x1;
	_ =	shalt  }
.Lfunc_end2:
_tile_overlayer_lowered:
.L_overlay_start_2:
0x105: {  	(tag) =	ssettag $0x2  }
0x106: {  	s0 =	rddreg [dreg:$0x0];
	s2 =	stileid.u32  }
0x107: {  	s1 =	rddreg [dreg:$0x1];
	p0 =	sne.s32 s2, $0x0  }
0x108: {  	s3 =	rddreg [dreg:$0x2];
	[bflag:$0x3] =	sbarrier.arrive $0xFFFF;
	s2 =	simm.s32 @!p0 $0x1C06  }
0x109: {  	[timem:s3], [sflag:s2] =	dma.local @!p0 [hbm:s0], s1  }
0x10a: {  	s0 =	simm.s32 @!p0 $0x6  }
0x10b: {  	_ =	swait.ge @!p0 [sflag:s0], s1  }
0x10c: {  	s1 =	ssub.s32 @!p0 $0x0, s1;
	[sflag:s0] =	ssyncset.done @!p0 $0x0  }
0x10d: {  	[sflag:s0] =	ssyncadd.s32 @!p0 s1  }
0x10e: {  	[bflag:$0x3] =	sbarrier.arrive $0xFFFF  }
0x10f: {  	_ =	shalt  }

</sc_bundles>
